<compile_context>
chip_gen: v7x
topology: tpu7x:2x2x1
jax: 0.10.2.dev20260603
libtpu: 0.0.44.dev20260713+nightly
codegen_flags: <defaults>
</compile_context>

<pallas_src>
import functools

import jax
import jax.numpy as jnp
from jax import lax
from jax.experimental import pallas as pl
from jax.experimental.pallas import tpu as pltpu
from jax.experimental.pallas import tpu_sc as plsc

N = 10000
E = 160000
D = 256
H = 128
NC = 2
NS = 16
CHUNK = 128
NCH = 80
DCH = NCH // NC
EPT = NCH * CHUNK
E_PAD = NS * EPT
N_PAD = 10112
RPT = N_PAD // NS


def _sc_aggregate(x2, src_t, dst_t, zrows, ones_blk):
    mesh = plsc.VectorSubcoreMesh(core_axis_name="c", subcore_axis_name="s",
                                  num_cores=NC, num_subcores=NS)

    @functools.partial(
        pl.kernel,
        out_type=(
            jax.ShapeDtypeStruct((NC, N_PAD, H), jnp.float32),
            jax.ShapeDtypeStruct((NC, N_PAD, H), jnp.float32),
        ),
        mesh=mesh,
        scratch_types=[
            pltpu.VMEM((CHUNK,), jnp.int32),
            pltpu.VMEM((CHUNK,), jnp.int32),
            pltpu.VMEM((NCH, CHUNK), jnp.int32),
            pltpu.VMEM((CHUNK, H), jnp.float32),
            pltpu.VMEM((CHUNK, H), jnp.float32),
            pltpu.VMEM_SHARED((N_PAD, H), jnp.float32),
            pltpu.SemaphoreType.DMA,
            pltpu.SemaphoreType.DMA,
            pltpu.SemaphoreType.DMA,
            pltpu.SemaphoreType.DMA,
        ],
    )
    def k(x2_hbm, src_hbm, dst_hbm, z_hbm, ones_hbm, sums_hbm, degp_hbm,
          idx0, idx1, dst_v, rows0, rows1, acc_sh,
          semI0, semI1, semA, semB):
        cid = lax.axis_index("c")
        sid = lax.axis_index("s")
        nbase = sid * RPT

        pltpu.sync_copy(z_hbm, acc_sh.at[pl.ds(nbase, RPT)])

        pltpu.sync_copy(dst_hbm.at[sid], dst_v)

        def istart(c, ib, sem):
            o = pl.multiple_of(c * CHUNK, CHUNK)
            pltpu.async_copy(src_hbm.at[cid, sid, pl.ds(o, CHUNK)], ib, sem)

        def iwait(ib, sem):
            pltpu.make_async_copy(
                src_hbm.at[cid, sid, pl.ds(0, CHUNK)], ib, sem).wait()

        def gstart(ib, buf, sem):
            pltpu.async_copy(x2_hbm.at[ib], buf, sem)

        def gwait(buf, sem):
            pltpu.make_async_copy(z_hbm.at[pl.ds(0, CHUNK)], buf, sem).wait()

        plsc.subcore_barrier()

        istart(0, idx0, semI0)
        istart(1, idx1, semI1)
        iwait(idx0, semI0)
        gstart(idx0, rows0, semA)
        iwait(idx1, semI1)
        gstart(idx1, rows1, semB)

        def pair(i, carry):
            c0 = i * 2
            gwait(rows0, semA)

            @pl.when(c0 + 2 < NCH)
            def _():
                istart(c0 + 2, idx0, semI0)

            pltpu.sync_copy(rows0, acc_sh.at[dst_v.at[c0]], add=True)

            @pl.when(c0 + 2 < NCH)
            def _():
                iwait(idx0, semI0)
                gstart(idx0, rows0, semA)

            gwait(rows1, semB)

            @pl.when(c0 + 3 < NCH)
            def _():
                istart(c0 + 3, idx1, semI1)

            pltpu.sync_copy(rows1, acc_sh.at[dst_v.at[c0 + 1]], add=True)

            @pl.when(c0 + 3 < NCH)
            def _():
                iwait(idx1, semI1)
                gstart(idx1, rows1, semB)

            return carry

        lax.fori_loop(0, NCH // 2, pair, 0)

        plsc.subcore_barrier()
        pltpu.sync_copy(acc_sh.at[pl.ds(nbase, RPT)],
                        sums_hbm.at[cid, pl.ds(nbase, RPT)])
        pltpu.sync_copy(z_hbm, acc_sh.at[pl.ds(nbase, RPT)])
        pltpu.sync_copy(ones_hbm, rows0)
        plsc.subcore_barrier()

        def dchunk(c, carry):
            pltpu.async_copy(rows0, acc_sh.at[dst_v.at[c]], semA, add=True)
            return carry

        lax.fori_loop(cid * DCH, (cid + 1) * DCH, dchunk, 0)

        def ddrain(i, carry):
            gwait(rows0, semA)
            return carry

        lax.fori_loop(0, DCH, ddrain, 0)

        plsc.subcore_barrier()
        pltpu.sync_copy(acc_sh.at[pl.ds(nbase, RPT)],
                        degp_hbm.at[cid, pl.ds(nbase, RPT)])

    return k(x2, src_t, dst_t, zrows, ones_blk)


def _tc_body(x_ref, s_ref, d_ref, w1_ref, w2a_ref, w2b_ref, b_ref, o_ref):
    a0 = s_ref[0]
    a1 = s_ref[1]
    deg = d_ref[0, :, 0:1] + d_ref[1, :, 0:1]
    r = 1.0 / jnp.maximum(deg, 1.0)
    acc = jnp.dot(x_ref[...], w1_ref[...], preferred_element_type=jnp.float32)
    acc = acc + jnp.dot(a0 * r, w2a_ref[...],
                        preferred_element_type=jnp.float32)
    acc = acc + jnp.dot(a1 * r, w2b_ref[...],
                        preferred_element_type=jnp.float32)
    o_ref[...] = acc + b_ref[...]


def _tc_linear(x, sums, degp, w1t, w2a, w2b, b2):
    R = 1000
    return pl.pallas_call(
        _tc_body,
        grid=(N // R,),
        in_specs=[
            pl.BlockSpec((R, D), lambda i: (i, 0)),
            pl.BlockSpec((NC, R, H), lambda i: (0, i, 0)),
            pl.BlockSpec((NC, R, H), lambda i: (0, i, 0)),
            pl.BlockSpec((D, D), lambda i: (0, 0)),
            pl.BlockSpec((H, D), lambda i: (0, 0)),
            pl.BlockSpec((H, D), lambda i: (0, 0)),
            pl.BlockSpec((1, D), lambda i: (0, 0)),
        ],
        out_specs=pl.BlockSpec((R, D), lambda i: (i, 0)),
        out_shape=jax.ShapeDtypeStruct((N, D), jnp.float32),
    )(x, sums, degp, w1t, w2a, w2b, b2)


def kernel(x, edge_index, W, b):
    src = edge_index[0]
    dst = edge_index[1]

    x2 = x.reshape(NC * N, H)

    src_p = jnp.concatenate([src, jnp.zeros((E_PAD - E,), jnp.int32)])
    src2 = src_p * 2
    src_t = jnp.stack([src2, src2 + 1]).reshape(NC, NS, EPT)
    dst_t = jnp.concatenate(
        [dst, jnp.full((E_PAD - E,), N, jnp.int32)]).reshape(NS, NCH, CHUNK)
    zrows = jnp.zeros((RPT, H), jnp.float32)
    ones_blk = jnp.ones((CHUNK, H), jnp.float32)

    sums, degp = _sc_aggregate(x2, src_t, dst_t, zrows, ones_blk)

    w1t = W[:, :D].T
    w2a = W[:, D:D + H].T
    w2b = W[:, D + H:].T
    b2 = b.reshape(1, D)
    return _tc_linear(x, sums, degp, w1t, w2a, w2b, b2)

# --- scband reference (transcript-rebuilt; emitter-appended) ---
"""Pipeline reference for scband-sageconv-48404281426231 (READ-ONLY COPY).

The authoritative reference and input builder live on the scoring server;
editing this copy changes nothing except your own understanding.
"""

import jax, jax.numpy as jnp
import numpy as np

N_NODES = 10000
N_EDGES = 160000
D_FEAT = 256
D_OUT = 256


def setup_inputs(seed: int = 0) -> dict:
    key = jax.random.key(seed)
    k1, k2, k3, k4 = jax.random.split(key, 4)
    x = jax.random.normal(k1, (N_NODES, D_FEAT), dtype=jnp.float32)
    edge_index = jax.random.randint(k2, (2, N_EDGES), 0, N_NODES, dtype=jnp.int32)
    # nn.Linear(in_feats*2, n_classes): weight [out, in], bias [out]
    bound = 1.0 / np.sqrt(2 * D_FEAT)
    W = jax.random.uniform(k3, (D_OUT, 2 * D_FEAT), dtype=jnp.float32, minval=-bound, maxval=bound)
    b = jax.random.uniform(k4, (D_OUT,), dtype=jnp.float32, minval=-bound, maxval=bound)
    return {"x": x, "edge_index": edge_index, "W": W, "b": b}


def reference(x, edge_index, W, b):
    src = edge_index[0]
    dst = edge_index[1]
    n = x.shape[0]
    # mean aggregation of source features onto destination nodes (DGL copy_u + mean)
    msg = jnp.take(x, src, axis=0)
    summed = jax.ops.segment_sum(msg, dst, num_segments=n)
    deg = jax.ops.segment_sum(jnp.ones((src.shape[0],), dtype=x.dtype), dst, num_segments=n)
    mean = summed / jnp.maximum(deg, 1.0)[:, None]
    h = jnp.concatenate([x, mean], axis=1)
    return h @ W.T + b

if __name__ == "__main__":
    import jax
    _d = setup_inputs()
    print(jax.jit(kernel)(*tuple(_d.values())))

</pallas_src>

<mosaic_0001>
#map = affine_map<(d0, d1) -> (0, 0)>
#map1 = affine_map<(d0, d1) -> (0, 0, 0)>
module attributes {stable_mosaic.version = 14 : i64} {
  func.func @k(%arg0: i32, %arg1: i32, %arg2: memref<20000x128xf32, #tpu.memory_space<hbm>>, %arg3: memref<2x16x10240xi32, #tpu.memory_space<hbm>>, %arg4: memref<16x80x128xi32, #tpu.memory_space<hbm>>, %arg5: memref<632x128xf32, #tpu.memory_space<hbm>>, %arg6: memref<128x128xf32, #tpu.memory_space<hbm>>, %arg7: memref<2x10112x128xf32, #tpu.memory_space<hbm>>, %arg8: memref<2x10112x128xf32, #tpu.memory_space<hbm>>, %arg9: memref<128xi32, #tpu.memory_space<vmem>>, %arg10: memref<128xi32, #tpu.memory_space<vmem>>, %arg11: memref<80x128xi32, #tpu.memory_space<vmem>>, %arg12: memref<128x128xf32, #tpu.memory_space<vmem>>, %arg13: memref<128x128xf32, #tpu.memory_space<vmem>>, %arg14: memref<10112x128xf32, #tpu.memory_space<vmem_shared>>, %arg15: memref<!tpu.dma_semaphore, #tpu.memory_space<semaphore_mem>>, %arg16: memref<!tpu.dma_semaphore, #tpu.memory_space<semaphore_mem>>, %arg17: memref<!tpu.dma_semaphore, #tpu.memory_space<semaphore_mem>>, %arg18: memref<!tpu.dma_semaphore, #tpu.memory_space<semaphore_mem>>) attributes {dimension_semantics = [#tpu.dimension_semantics<core_parallel>, #tpu.dimension_semantics<subcore_parallel>], iteration_bounds = array<i64: 2, 16>, scalar_prefetch = 0 : i64, scratch_operands = 10 : i64, tpu.core_type = #tpu.core_type<sc_vector_subcore>, window_params = [{transform_indices = #map}, {transform_indices = #map1}, {transform_indices = #map1}, {transform_indices = #map}, {transform_indices = #map}, {transform_indices = #map1}, {transform_indices = #map1}]} {
    %mul3A = arith.constant 632 : i32
    %mul3A_0 = arith.muli %arg1, %mul3A : i32
    "tpu.region"() ({
      %run_scoped3A = tpu.sem_alloc : memref<!tpu.dma_semaphore, #tpu.memory_space<semaphore_mem>>
      %dma_start3A_55 = arith.constant 0 : i32
      %dma_start3A_56 = tpu.memref_slice %arg14[%mul3A_0, %dma_start3A_55] : memref<10112x128xf32, #tpu.memory_space<vmem_shared>> -> memref<632x128xf32, #tpu.memory_space<vmem_shared>>
      tpu.enqueue_dma source(%arg5 : memref<632x128xf32, #tpu.memory_space<hbm>>) target(%dma_start3A_56 : memref<632x128xf32, #tpu.memory_space<vmem_shared>>) target_semaphore(%run_scoped3A : memref<!tpu.dma_semaphore, #tpu.memory_space<semaphore_mem>>)
      %dma_wait3A_57 = arith.constant 0 : i32
      %dma_wait3A_58 = tpu.memref_slice %arg14[%mul3A_0, %dma_wait3A_57] : memref<10112x128xf32, #tpu.memory_space<vmem_shared>> -> memref<632x128xf32, #tpu.memory_space<vmem_shared>>
      tpu.wait_dma2 semaphore(%run_scoped3A : memref<!tpu.dma_semaphore, #tpu.memory_space<semaphore_mem>>) src(%arg5 : memref<632x128xf32, #tpu.memory_space<hbm>>) dst(%dma_wait3A_58 : memref<632x128xf32, #tpu.memory_space<vmem_shared>>)
      tpu.yield
    }) : () -> ()
    "tpu.region"() ({
      %run_scoped3A = tpu.sem_alloc : memref<!tpu.dma_semaphore, #tpu.memory_space<semaphore_mem>>
      %dma_start3A_55 = arith.constant 0 : i32
      %dma_start3A_56 = arith.constant 0 : i32
      %dma_start3A_57 = tpu.memref_slice %arg4[%arg1, %dma_start3A_55, %dma_start3A_56] : memref<16x80x128xi32, #tpu.memory_space<hbm>> -> memref<1x80x128xi32, #tpu.memory_space<hbm>>
      %dma_start3A_58 = tpu.memref_squeeze %dma_start3A_57 : memref<1x80x128xi32, #tpu.memory_space<hbm>> -> memref<80x128xi32, #tpu.memory_space<hbm>>
      %dma_start3A_59 = arith.constant 0 : i32
      %dma_start3A_60 = arith.constant 0 : i32
      %dma_start3A_61 = tpu.memref_slice %arg4[%arg1, %dma_start3A_59, %dma_start3A_60] : memref<16x80x128xi32, #tpu.memory_space<hbm>> -> memref<1x80x128xi32, #tpu.memory_space<hbm>>
      %dma_start3A_62 = tpu.memref_squeeze %dma_start3A_61 : memref<1x80x128xi32, #tpu.memory_space<hbm>> -> memref<80x128xi32, #tpu.memory_space<hbm>>
      tpu.enqueue_dma source(%dma_start3A_62 : memref<80x128xi32, #tpu.memory_space<hbm>>) target(%arg11 : memref<80x128xi32, #tpu.memory_space<vmem>>) target_semaphore(%run_scoped3A : memref<!tpu.dma_semaphore, #tpu.memory_space<semaphore_mem>>)
      %dma_wait3A_63 = arith.constant 0 : i32
      %dma_wait3A_64 = arith.constant 0 : i32
      %dma_wait3A_65 = tpu.memref_slice %arg4[%arg1, %dma_wait3A_63, %dma_wait3A_64] : memref<16x80x128xi32, #tpu.memory_space<hbm>> -> memref<1x80x128xi32, #tpu.memory_space<hbm>>
      %dma_wait3A_66 = tpu.memref_squeeze %dma_wait3A_65 : memref<1x80x128xi32, #tpu.memory_space<hbm>> -> memref<80x128xi32, #tpu.memory_space<hbm>>
      %dma_wait3A_67 = arith.constant 0 : i32
      %dma_wait3A_68 = arith.constant 0 : i32
      %dma_wait3A_69 = tpu.memref_slice %arg4[%arg1, %dma_wait3A_67, %dma_wait3A_68] : memref<16x80x128xi32, #tpu.memory_space<hbm>> -> memref<1x80x128xi32, #tpu.memory_space<hbm>>
      %dma_wait3A_70 = tpu.memref_squeeze %dma_wait3A_69 : memref<1x80x128xi32, #tpu.memory_space<hbm>> -> memref<80x128xi32, #tpu.memory_space<hbm>>
      tpu.wait_dma2 semaphore(%run_scoped3A : memref<!tpu.dma_semaphore, #tpu.memory_space<semaphore_mem>>) src(%dma_wait3A_70 : memref<80x128xi32, #tpu.memory_space<hbm>>) dst(%arg11 : memref<80x128xi32, #tpu.memory_space<vmem>>)
      tpu.yield
    }) : () -> ()
    %barrier3A = arith.constant 0 : index
    tpu.barrier barrier_id(%barrier3A)
    %multiple_of3A = arith.constant 0 : i32
    %multiple_of3A_1 = tpu.assume_multiple %multiple_of3A, 128 : i32
    %dma_start3A = tpu.memref_slice %arg3[%arg0, %arg1, %multiple_of3A_1] : memref<2x16x10240xi32, #tpu.memory_space<hbm>> -> memref<1x1x128xi32, #tpu.memory_space<hbm>>
    %dma_start3A_2 = tpu.memref_squeeze %dma_start3A : memref<1x1x128xi32, #tpu.memory_space<hbm>> -> memref<128xi32, #tpu.memory_space<hbm>>
    %dma_start3A_3 = tpu.memref_slice %arg3[%arg0, %arg1, %multiple_of3A_1] : memref<2x16x10240xi32, #tpu.memory_space<hbm>> -> memref<1x1x128xi32, #tpu.memory_space<hbm>>
    %dma_start3A_4 = tpu.memref_squeeze %dma_start3A_3 : memref<1x1x128xi32, #tpu.memory_space<hbm>> -> memref<128xi32, #tpu.memory_space<hbm>>
    tpu.enqueue_dma source(%dma_start3A_4 : memref<128xi32, #tpu.memory_space<hbm>>) target(%arg9 : memref<128xi32, #tpu.memory_space<vmem>>) target_semaphore(%arg15 : memref<!tpu.dma_semaphore, #tpu.memory_space<semaphore_mem>>)
    %multiple_of3A_5 = arith.constant 128 : i32
    %multiple_of3A_6 = tpu.assume_multiple %multiple_of3A_5, 128 : i32
    %dma_start3A_7 = tpu.memref_slice %arg3[%arg0, %arg1, %multiple_of3A_6] : memref<2x16x10240xi32, #tpu.memory_space<hbm>> -> memref<1x1x128xi32, #tpu.memory_space<hbm>>
    %dma_start3A_8 = tpu.memref_squeeze %dma_start3A_7 : memref<1x1x128xi32, #tpu.memory_space<hbm>> -> memref<128xi32, #tpu.memory_space<hbm>>
    %dma_start3A_9 = tpu.memref_slice %arg3[%arg0, %arg1, %multiple_of3A_6] : memref<2x16x10240xi32, #tpu.memory_space<hbm>> -> memref<1x1x128xi32, #tpu.memory_space<hbm>>
    %dma_start3A_10 = tpu.memref_squeeze %dma_start3A_9 : memref<1x1x128xi32, #tpu.memory_space<hbm>> -> memref<128xi32, #tpu.memory_space<hbm>>
    tpu.enqueue_dma source(%dma_start3A_10 : memref<128xi32, #tpu.memory_space<hbm>>) target(%arg10 : memref<128xi32, #tpu.memory_space<vmem>>) target_semaphore(%arg16 : memref<!tpu.dma_semaphore, #tpu.memory_space<semaphore_mem>>)
    %dma_wait3A = arith.constant 0 : i32
    %dma_wait3A_11 = tpu.memref_slice %arg3[%arg0, %arg1, %dma_wait3A] : memref<2x16x10240xi32, #tpu.memory_space<hbm>> -> memref<1x1x128xi32, #tpu.memory_space<hbm>>
    %dma_wait3A_12 = tpu.memref_squeeze %dma_wait3A_11 : memref<1x1x128xi32, #tpu.memory_space<hbm>> -> memref<128xi32, #tpu.memory_space<hbm>>
    %dma_wait3A_13 = arith.constant 0 : i32
    %dma_wait3A_14 = tpu.memref_slice %arg3[%arg0, %arg1, %dma_wait3A_13] : memref<2x16x10240xi32, #tpu.memory_space<hbm>> -> memref<1x1x128xi32, #tpu.memory_space<hbm>>
    %dma_wait3A_15 = tpu.memref_squeeze %dma_wait3A_14 : memref<1x1x128xi32, #tpu.memory_space<hbm>> -> memref<128xi32, #tpu.memory_space<hbm>>
    tpu.wait_dma2 semaphore(%arg15 : memref<!tpu.dma_semaphore, #tpu.memory_space<semaphore_mem>>) src(%dma_wait3A_15 : memref<128xi32, #tpu.memory_space<hbm>>) dst(%arg9 : memref<128xi32, #tpu.memory_space<vmem>>)
    %dma_start3A_16 = arith.constant 0 : i32
    %dma_start3A_17 = arith.constant 0 : i32
    %dma_start3A_18 = tpu.memref_slice %arg2[%dma_start3A_16, %dma_start3A_17] : memref<20000x128xf32, #tpu.memory_space<hbm>> -> memref<20000x128xf32, #tpu.memory_space<hbm>>
    tpu.enqueue_indirect_dma source(%dma_start3A_18 : memref<20000x128xf32, #tpu.memory_space<hbm>>) target(%arg12 : memref<128x128xf32, #tpu.memory_space<vmem>>) offsets(%arg9 : memref<128xi32, #tpu.memory_space<vmem>>) semaphore(%arg17 : memref<!tpu.dma_semaphore, #tpu.memory_space<semaphore_mem>>)
    %dma_wait3A_19 = arith.constant 0 : i32
    %dma_wait3A_20 = tpu.memref_slice %arg3[%arg0, %arg1, %dma_wait3A_19] : memref<2x16x10240xi32, #tpu.memory_space<hbm>> -> memref<1x1x128xi32, #tpu.memory_space<hbm>>
    %dma_wait3A_21 = tpu.memref_squeeze %dma_wait3A_20 : memref<1x1x128xi32, #tpu.memory_space<hbm>> -> memref<128xi32, #tpu.memory_space<hbm>>
    %dma_wait3A_22 = arith.constant 0 : i32
    %dma_wait3A_23 = tpu.memref_slice %arg3[%arg0, %arg1, %dma_wait3A_22] : memref<2x16x10240xi32, #tpu.memory_space<hbm>> -> memref<1x1x128xi32, #tpu.memory_space<hbm>>
    %dma_wait3A_24 = tpu.memref_squeeze %dma_wait3A_23 : memref<1x1x128xi32, #tpu.memory_space<hbm>> -> memref<128xi32, #tpu.memory_space<hbm>>
    tpu.wait_dma2 semaphore(%arg16 : memref<!tpu.dma_semaphore, #tpu.memory_space<semaphore_mem>>) src(%dma_wait3A_24 : memref<128xi32, #tpu.memory_space<hbm>>) dst(%arg10 : memref<128xi32, #tpu.memory_space<vmem>>)
    %dma_start3A_25 = arith.constant 0 : i32
    %dma_start3A_26 = arith.constant 0 : i32
    %dma_start3A_27 = tpu.memref_slice %arg2[%dma_start3A_25, %dma_start3A_26] : memref<20000x128xf32, #tpu.memory_space<hbm>> -> memref<20000x128xf32, #tpu.memory_space<hbm>>
    tpu.enqueue_indirect_dma source(%dma_start3A_27 : memref<20000x128xf32, #tpu.memory_space<hbm>>) target(%arg13 : memref<128x128xf32, #tpu.memory_space<vmem>>) offsets(%arg10 : memref<128xi32, #tpu.memory_space<vmem>>) semaphore(%arg18 : memref<!tpu.dma_semaphore, #tpu.memory_space<semaphore_mem>>)
    %scan3A = arith.constant 0 : i32
    %scan3A_28 = arith.constant 0 : i32
    %scan3A_29 = arith.constant 40 : i32
    %scan3A_30 = arith.addi %scan3A_28, %scan3A_29 : i32
    %scan3A_31 = arith.constant 1 : i32
    scf.for %scan3A_55 = %scan3A_28 to %scan3A_30 step %scan3A_31  : i32 {
      %mul3A_56 = arith.constant 2 : i32
      %mul3A_57 = arith.muli %scan3A_55, %mul3A_56 : i32
      %dma_wait3A_58 = arith.constant 0 : i32
      %dma_wait3A_59 = arith.constant 0 : i32
      %dma_wait3A_60 = tpu.memref_slice %arg5[%dma_wait3A_58, %dma_wait3A_59] : memref<632x128xf32, #tpu.memory_space<hbm>> -> memref<128x128xf32, #tpu.memory_space<hbm>>
      %dma_wait3A_61 = arith.constant 0 : i32
      %dma_wait3A_62 = arith.constant 0 : i32
      %dma_wait3A_63 = tpu.memref_slice %arg5[%dma_wait3A_61, %dma_wait3A_62] : memref<632x128xf32, #tpu.memory_space<hbm>> -> memref<128x128xf32, #tpu.memory_space<hbm>>
      tpu.wait_dma2 semaphore(%arg17 : memref<!tpu.dma_semaphore, #tpu.memory_space<semaphore_mem>>) src(%dma_wait3A_63 : memref<128x128xf32, #tpu.memory_space<hbm>>) dst(%arg12 : memref<128x128xf32, #tpu.memory_space<vmem>>)
      %add3A_64 = arith.constant 2 : i32
      %add3A_65 = arith.addi %mul3A_57, %add3A_64 : i32
      %lt3A = arith.constant 80 : i32
      %lt3A_66 = arith.cmpi slt, %add3A_65, %lt3A : i32
      %convert_element_type3A = arith.extui %lt3A_66 : i1 to i32
      %cond3A = arith.constant 0 : i32
      %cond3A_67 = arith.cmpi ne, %convert_element_type3A, %cond3A : i32
      scf.if %cond3A_67 {
        %add3A_97 = arith.constant 2 : i32
        %add3A_98 = arith.addi %mul3A_57, %add3A_97 : i32
        %mul3A_99 = arith.constant 128 : i32
        %mul3A_100 = arith.muli %add3A_98, %mul3A_99 : i32
        %multiple_of3A_101 = tpu.assume_multiple %mul3A_100, 128 : i32
        %dma_start3A_102 = tpu.memref_slice %arg3[%arg0, %arg1, %multiple_of3A_101] : memref<2x16x10240xi32, #tpu.memory_space<hbm>> -> memref<1x1x128xi32, #tpu.memory_space<hbm>>
        %dma_start3A_103 = tpu.memref_squeeze %dma_start3A_102 : memref<1x1x128xi32, #tpu.memory_space<hbm>> -> memref<128xi32, #tpu.memory_space<hbm>>
        %dma_start3A_104 = tpu.memref_slice %arg3[%arg0, %arg1, %multiple_of3A_101] : memref<2x16x10240xi32, #tpu.memory_space<hbm>> -> memref<1x1x128xi32, #tpu.memory_space<hbm>>
        %dma_start3A_105 = tpu.memref_squeeze %dma_start3A_104 : memref<1x1x128xi32, #tpu.memory_space<hbm>> -> memref<128xi32, #tpu.memory_space<hbm>>
        tpu.enqueue_dma source(%dma_start3A_105 : memref<128xi32, #tpu.memory_space<hbm>>) target(%arg9 : memref<128xi32, #tpu.memory_space<vmem>>) target_semaphore(%arg15 : memref<!tpu.dma_semaphore, #tpu.memory_space<semaphore_mem>>)
      } else {
      }
      "tpu.region"() ({
        %run_scoped3A = tpu.sem_alloc : memref<!tpu.dma_semaphore, #tpu.memory_space<semaphore_mem>>
        %dma_start3A_97 = arith.constant 0 : i32
        %dma_start3A_98 = tpu.memref_slice %arg11[%mul3A_57, %dma_start3A_97] : memref<80x128xi32, #tpu.memory_space<vmem>> -> memref<1x128xi32, #tpu.memory_space<vmem>>
        %dma_start3A_99 = tpu.memref_squeeze %dma_start3A_98 : memref<1x128xi32, #tpu.memory_space<vmem>> -> memref<128xi32, #tpu.memory_space<vmem>>
        %dma_start3A_100 = arith.constant 0 : i32
        %dma_start3A_101 = arith.constant 0 : i32
        %dma_start3A_102 = tpu.memref_slice %arg14[%dma_start3A_100, %dma_start3A_101] : memref<10112x128xf32, #tpu.memory_space<vmem_shared>> -> memref<10112x128xf32, #tpu.memory_space<vmem_shared>>
        tpu.enqueue_indirect_dma source(%arg12 : memref<128x128xf32, #tpu.memory_space<vmem>>) target(%dma_start3A_102 : memref<10112x128xf32, #tpu.memory_space<vmem_shared>>) offsets(%dma_start3A_99 : memref<128xi32, #tpu.memory_space<vmem>>) semaphore(%run_scoped3A : memref<!tpu.dma_semaphore, #tpu.memory_space<semaphore_mem>>) {add = true}
        %dma_wait3A_103 = arith.constant 0 : i32
        %dma_wait3A_104 = tpu.memref_slice %arg11[%mul3A_57, %dma_wait3A_103] : memref<80x128xi32, #tpu.memory_space<vmem>> -> memref<1x128xi32, #tpu.memory_space<vmem>>
        %dma_wait3A_105 = tpu.memref_squeeze %dma_wait3A_104 : memref<1x128xi32, #tpu.memory_space<vmem>> -> memref<128xi32, #tpu.memory_space<vmem>>
        %dma_wait3A_106 = arith.constant 0 : i32
        %dma_wait3A_107 = arith.constant 0 : i32
        %dma_wait3A_108 = tpu.memref_slice %arg14[%dma_wait3A_106, %dma_wait3A_107] : memref<10112x128xf32, #tpu.memory_space<vmem_shared>> -> memref<10112x128xf32, #tpu.memory_space<vmem_shared>>
        tpu.wait_indirect_dma semaphore(%run_scoped3A : memref<!tpu.dma_semaphore, #tpu.memory_space<semaphore_mem>>) src(%arg12 : memref<128x128xf32, #tpu.memory_space<vmem>>) dst(%dma_wait3A_108 : memref<10112x128xf32, #tpu.memory_space<vmem_shared>>)
        tpu.yield
      }) : () -> ()
      %add3A_68 = arith.constant 2 : i32
      %add3A_69 = arith.addi %mul3A_57, %add3A_68 : i32
      %lt3A_70 = arith.constant 80 : i32
      %lt3A_71 = arith.cmpi slt, %add3A_69, %lt3A_70 : i32
      %convert_element_type3A_72 = arith.extui %lt3A_71 : i1 to i32
      %cond3A_73 = arith.constant 0 : i32
      %cond3A_74 = arith.cmpi ne, %convert_element_type3A_72, %cond3A_73 : i32
      scf.if %cond3A_74 {
        %dma_wait3A_97 = arith.constant 0 : i32
        %dma_wait3A_98 = tpu.memref_slice %arg3[%arg0, %arg1, %dma_wait3A_97] : memref<2x16x10240xi32, #tpu.memory_space<hbm>> -> memref<1x1x128xi32, #tpu.memory_space<hbm>>
        %dma_wait3A_99 = tpu.memref_squeeze %dma_wait3A_98 : memref<1x1x128xi32, #tpu.memory_space<hbm>> -> memref<128xi32, #tpu.memory_space<hbm>>
        %dma_wait3A_100 = arith.constant 0 : i32
        %dma_wait3A_101 = tpu.memref_slice %arg3[%arg0, %arg1, %dma_wait3A_100] : memref<2x16x10240xi32, #tpu.memory_space<hbm>> -> memref<1x1x128xi32, #tpu.memory_space<hbm>>
        %dma_wait3A_102 = tpu.memref_squeeze %dma_wait3A_101 : memref<1x1x128xi32, #tpu.memory_space<hbm>> -> memref<128xi32, #tpu.memory_space<hbm>>
        tpu.wait_dma2 semaphore(%arg15 : memref<!tpu.dma_semaphore, #tpu.memory_space<semaphore_mem>>) src(%dma_wait3A_102 : memref<128xi32, #tpu.memory_space<hbm>>) dst(%arg9 : memref<128xi32, #tpu.memory_space<vmem>>)
        %dma_start3A_103 = arith.constant 0 : i32
        %dma_start3A_104 = arith.constant 0 : i32
        %dma_start3A_105 = tpu.memref_slice %arg2[%dma_start3A_103, %dma_start3A_104] : memref<20000x128xf32, #tpu.memory_space<hbm>> -> memref<20000x128xf32, #tpu.memory_space<hbm>>
        tpu.enqueue_indirect_dma source(%dma_start3A_105 : memref<20000x128xf32, #tpu.memory_space<hbm>>) target(%arg12 : memref<128x128xf32, #tpu.memory_space<vmem>>) offsets(%arg9 : memref<128xi32, #tpu.memory_space<vmem>>) semaphore(%arg17 : memref<!tpu.dma_semaphore, #tpu.memory_space<semaphore_mem>>)
      } else {
      }
      %dma_wait3A_75 = arith.constant 0 : i32
      %dma_wait3A_76 = arith.constant 0 : i32
      %dma_wait3A_77 = tpu.memref_slice %arg5[%dma_wait3A_75, %dma_wait3A_76] : memref<632x128xf32, #tpu.memory_space<hbm>> -> memref<128x128xf32, #tpu.memory_space<hbm>>
      %dma_wait3A_78 = arith.constant 0 : i32
      %dma_wait3A_79 = arith.constant 0 : i32
      %dma_wait3A_80 = tpu.memref_slice %arg5[%dma_wait3A_78, %dma_wait3A_79] : memref<632x128xf32, #tpu.memory_space<hbm>> -> memref<128x128xf32, #tpu.memory_space<hbm>>
      tpu.wait_dma2 semaphore(%arg18 : memref<!tpu.dma_semaphore, #tpu.memory_space<semaphore_mem>>) src(%dma_wait3A_80 : memref<128x128xf32, #tpu.memory_space<hbm>>) dst(%arg13 : memref<128x128xf32, #tpu.memory_space<vmem>>)
      %add3A_81 = arith.constant 3 : i32
      %add3A_82 = arith.addi %mul3A_57, %add3A_81 : i32
      %lt3A_83 = arith.constant 80 : i32
      %lt3A_84 = arith.cmpi slt, %add3A_82, %lt3A_83 : i32
      %convert_element_type3A_85 = arith.extui %lt3A_84 : i1 to i32
      %cond3A_86 = arith.constant 0 : i32
      %cond3A_87 = arith.cmpi ne, %convert_element_type3A_85, %cond3A_86 : i32
      scf.if %cond3A_87 {
        %add3A_97 = arith.constant 3 : i32
        %add3A_98 = arith.addi %mul3A_57, %add3A_97 : i32
        %mul3A_99 = arith.constant 128 : i32
        %mul3A_100 = arith.muli %add3A_98, %mul3A_99 : i32
        %multiple_of3A_101 = tpu.assume_multiple %mul3A_100, 128 : i32
        %dma_start3A_102 = tpu.memref_slice %arg3[%arg0, %arg1, %multiple_of3A_101] : memref<2x16x10240xi32, #tpu.memory_space<hbm>> -> memref<1x1x128xi32, #tpu.memory_space<hbm>>
        %dma_start3A_103 = tpu.memref_squeeze %dma_start3A_102 : memref<1x1x128xi32, #tpu.memory_space<hbm>> -> memref<128xi32, #tpu.memory_space<hbm>>
        %dma_start3A_104 = tpu.memref_slice %arg3[%arg0, %arg1, %multiple_of3A_101] : memref<2x16x10240xi32, #tpu.memory_space<hbm>> -> memref<1x1x128xi32, #tpu.memory_space<hbm>>
        %dma_start3A_105 = tpu.memref_squeeze %dma_start3A_104 : memref<1x1x128xi32, #tpu.memory_space<hbm>> -> memref<128xi32, #tpu.memory_space<hbm>>
        tpu.enqueue_dma source(%dma_start3A_105 : memref<128xi32, #tpu.memory_space<hbm>>) target(%arg10 : memref<128xi32, #tpu.memory_space<vmem>>) target_semaphore(%arg16 : memref<!tpu.dma_semaphore, #tpu.memory_space<semaphore_mem>>)
      } else {
      }
      %add3A_88 = arith.constant 1 : i32
      %add3A_89 = arith.addi %mul3A_57, %add3A_88 : i32
      "tpu.region"() ({
        %run_scoped3A = tpu.sem_alloc : memref<!tpu.dma_semaphore, #tpu.memory_space<semaphore_mem>>
        %dma_start3A_97 = arith.constant 0 : i32
        %dma_start3A_98 = tpu.memref_slice %arg11[%add3A_89, %dma_start3A_97] : memref<80x128xi32, #tpu.memory_space<vmem>> -> memref<1x128xi32, #tpu.memory_space<vmem>>
        %dma_start3A_99 = tpu.memref_squeeze %dma_start3A_98 : memref<1x128xi32, #tpu.memory_space<vmem>> -> memref<128xi32, #tpu.memory_space<vmem>>
        %dma_start3A_100 = arith.constant 0 : i32
        %dma_start3A_101 = arith.constant 0 : i32
        %dma_start3A_102 = tpu.memref_slice %arg14[%dma_start3A_100, %dma_start3A_101] : memref<10112x128xf32, #tpu.memory_space<vmem_shared>> -> memref<10112x128xf32, #tpu.memory_space<vmem_shared>>
        tpu.enqueue_indirect_dma source(%arg13 : memref<128x128xf32, #tpu.memory_space<vmem>>) target(%dma_start3A_102 : memref<10112x128xf32, #tpu.memory_space<vmem_shared>>) offsets(%dma_start3A_99 : memref<128xi32, #tpu.memory_space<vmem>>) semaphore(%run_scoped3A : memref<!tpu.dma_semaphore, #tpu.memory_space<semaphore_mem>>) {add = true}
        %dma_wait3A_103 = arith.constant 0 : i32
        %dma_wait3A_104 = tpu.memref_slice %arg11[%add3A_89, %dma_wait3A_103] : memref<80x128xi32, #tpu.memory_space<vmem>> -> memref<1x128xi32, #tpu.memory_space<vmem>>
        %dma_wait3A_105 = tpu.memref_squeeze %dma_wait3A_104 : memref<1x128xi32, #tpu.memory_space<vmem>> -> memref<128xi32, #tpu.memory_space<vmem>>
        %dma_wait3A_106 = arith.constant 0 : i32
        %dma_wait3A_107 = arith.constant 0 : i32
        %dma_wait3A_108 = tpu.memref_slice %arg14[%dma_wait3A_106, %dma_wait3A_107] : memref<10112x128xf32, #tpu.memory_space<vmem_shared>> -> memref<10112x128xf32, #tpu.memory_space<vmem_shared>>
        tpu.wait_indirect_dma semaphore(%run_scoped3A : memref<!tpu.dma_semaphore, #tpu.memory_space<semaphore_mem>>) src(%arg13 : memref<128x128xf32, #tpu.memory_space<vmem>>) dst(%dma_wait3A_108 : memref<10112x128xf32, #tpu.memory_space<vmem_shared>>)
        tpu.yield
      }) : () -> ()
      %add3A_90 = arith.constant 3 : i32
      %add3A_91 = arith.addi %mul3A_57, %add3A_90 : i32
      %lt3A_92 = arith.constant 80 : i32
      %lt3A_93 = arith.cmpi slt, %add3A_91, %lt3A_92 : i32
      %convert_element_type3A_94 = arith.extui %lt3A_93 : i1 to i32
      %cond3A_95 = arith.constant 0 : i32
      %cond3A_96 = arith.cmpi ne, %convert_element_type3A_94, %cond3A_95 : i32
      scf.if %cond3A_96 {
        %dma_wait3A_97 = arith.constant 0 : i32
        %dma_wait3A_98 = tpu.memref_slice %arg3[%arg0, %arg1, %dma_wait3A_97] : memref<2x16x10240xi32, #tpu.memory_space<hbm>> -> memref<1x1x128xi32, #tpu.memory_space<hbm>>
        %dma_wait3A_99 = tpu.memref_squeeze %dma_wait3A_98 : memref<1x1x128xi32, #tpu.memory_space<hbm>> -> memref<128xi32, #tpu.memory_space<hbm>>
        %dma_wait3A_100 = arith.constant 0 : i32
        %dma_wait3A_101 = tpu.memref_slice %arg3[%arg0, %arg1, %dma_wait3A_100] : memref<2x16x10240xi32, #tpu.memory_space<hbm>> -> memref<1x1x128xi32, #tpu.memory_space<hbm>>
        %dma_wait3A_102 = tpu.memref_squeeze %dma_wait3A_101 : memref<1x1x128xi32, #tpu.memory_space<hbm>> -> memref<128xi32, #tpu.memory_space<hbm>>
        tpu.wait_dma2 semaphore(%arg16 : memref<!tpu.dma_semaphore, #tpu.memory_space<semaphore_mem>>) src(%dma_wait3A_102 : memref<128xi32, #tpu.memory_space<hbm>>) dst(%arg10 : memref<128xi32, #tpu.memory_space<vmem>>)
        %dma_start3A_103 = arith.constant 0 : i32
        %dma_start3A_104 = arith.constant 0 : i32
        %dma_start3A_105 = tpu.memref_slice %arg2[%dma_start3A_103, %dma_start3A_104] : memref<20000x128xf32, #tpu.memory_space<hbm>> -> memref<20000x128xf32, #tpu.memory_space<hbm>>
        tpu.enqueue_indirect_dma source(%dma_start3A_105 : memref<20000x128xf32, #tpu.memory_space<hbm>>) target(%arg13 : memref<128x128xf32, #tpu.memory_space<vmem>>) offsets(%arg10 : memref<128xi32, #tpu.memory_space<vmem>>) semaphore(%arg18 : memref<!tpu.dma_semaphore, #tpu.memory_space<semaphore_mem>>)
      } else {
      }
    }
    %scan3A_32 = arith.constant 40 : i32
    %barrier3A_33 = arith.constant 0 : index
    tpu.barrier barrier_id(%barrier3A_33)
    "tpu.region"() ({
      %run_scoped3A = tpu.sem_alloc : memref<!tpu.dma_semaphore, #tpu.memory_space<semaphore_mem>>
      %dma_start3A_55 = arith.constant 0 : i32
      %dma_start3A_56 = tpu.memref_slice %arg7[%arg0, %mul3A_0, %dma_start3A_55] : memref<2x10112x128xf32, #tpu.memory_space<hbm>> -> memref<1x632x128xf32, #tpu.memory_space<hbm>>
      %dma_start3A_57 = tpu.memref_squeeze %dma_start3A_56 : memref<1x632x128xf32, #tpu.memory_space<hbm>> -> memref<632x128xf32, #tpu.memory_space<hbm>>
      %dma_start3A_58 = arith.constant 0 : i32
      %dma_start3A_59 = tpu.memref_slice %arg14[%mul3A_0, %dma_start3A_58] : memref<10112x128xf32, #tpu.memory_space<vmem_shared>> -> memref<632x128xf32, #tpu.memory_space<vmem_shared>>
      tpu.enqueue_dma source(%dma_start3A_59 : memref<632x128xf32, #tpu.memory_space<vmem_shared>>) target(%dma_start3A_57 : memref<632x128xf32, #tpu.memory_space<hbm>>) target_semaphore(%run_scoped3A : memref<!tpu.dma_semaphore, #tpu.memory_space<semaphore_mem>>)
      %dma_wait3A_60 = arith.constant 0 : i32
      %dma_wait3A_61 = tpu.memref_slice %arg7[%arg0, %mul3A_0, %dma_wait3A_60] : memref<2x10112x128xf32, #tpu.memory_space<hbm>> -> memref<1x632x128xf32, #tpu.memory_space<hbm>>
      %dma_wait3A_62 = tpu.memref_squeeze %dma_wait3A_61 : memref<1x632x128xf32, #tpu.memory_space<hbm>> -> memref<632x128xf32, #tpu.memory_space<hbm>>
      %dma_wait3A_63 = arith.constant 0 : i32
      %dma_wait3A_64 = tpu.memref_slice %arg14[%mul3A_0, %dma_wait3A_63] : memref<10112x128xf32, #tpu.memory_space<vmem_shared>> -> memref<632x128xf32, #tpu.memory_space<vmem_shared>>
      tpu.wait_dma2 semaphore(%run_scoped3A : memref<!tpu.dma_semaphore, #tpu.memory_space<semaphore_mem>>) src(%dma_wait3A_64 : memref<632x128xf32, #tpu.memory_space<vmem_shared>>) dst(%dma_wait3A_62 : memref<632x128xf32, #tpu.memory_space<hbm>>)
      tpu.yield
    }) : () -> ()
    "tpu.region"() ({
      %run_scoped3A = tpu.sem_alloc : memref<!tpu.dma_semaphore, #tpu.memory_space<semaphore_mem>>
      %dma_start3A_55 = arith.constant 0 : i32
      %dma_start3A_56 = tpu.memref_slice %arg14[%mul3A_0, %dma_start3A_55] : memref<10112x128xf32, #tpu.memory_space<vmem_shared>> -> memref<632x128xf32, #tpu.memory_space<vmem_shared>>
      tpu.enqueue_dma source(%arg5 : memref<632x128xf32, #tpu.memory_space<hbm>>) target(%dma_start3A_56 : memref<632x128xf32, #tpu.memory_space<vmem_shared>>) target_semaphore(%run_scoped3A : memref<!tpu.dma_semaphore, #tpu.memory_space<semaphore_mem>>)
      %dma_wait3A_57 = arith.constant 0 : i32
      %dma_wait3A_58 = tpu.memref_slice %arg14[%mul3A_0, %dma_wait3A_57] : memref<10112x128xf32, #tpu.memory_space<vmem_shared>> -> memref<632x128xf32, #tpu.memory_space<vmem_shared>>
      tpu.wait_dma2 semaphore(%run_scoped3A : memref<!tpu.dma_semaphore, #tpu.memory_space<semaphore_mem>>) src(%arg5 : memref<632x128xf32, #tpu.memory_space<hbm>>) dst(%dma_wait3A_58 : memref<632x128xf32, #tpu.memory_space<vmem_shared>>)
      tpu.yield
    }) : () -> ()
    "tpu.region"() ({
      %run_scoped3A = tpu.sem_alloc : memref<!tpu.dma_semaphore, #tpu.memory_space<semaphore_mem>>
      tpu.enqueue_dma source(%arg6 : memref<128x128xf32, #tpu.memory_space<hbm>>) target(%arg12 : memref<128x128xf32, #tpu.memory_space<vmem>>) target_semaphore(%run_scoped3A : memref<!tpu.dma_semaphore, #tpu.memory_space<semaphore_mem>>)
      tpu.wait_dma2 semaphore(%run_scoped3A : memref<!tpu.dma_semaphore, #tpu.memory_space<semaphore_mem>>) src(%arg6 : memref<128x128xf32, #tpu.memory_space<hbm>>) dst(%arg12 : memref<128x128xf32, #tpu.memory_space<vmem>>)
      tpu.yield
    }) : () -> ()
    %barrier3A_34 = arith.constant 0 : index
    tpu.barrier barrier_id(%barrier3A_34)
    %mul3A_35 = arith.constant 40 : i32
    %mul3A_36 = arith.muli %arg0, %mul3A_35 : i32
    %add3A = arith.constant 1 : i32
    %add3A_37 = arith.addi %arg0, %add3A : i32
    %mul3A_38 = arith.constant 40 : i32
    %mul3A_39 = arith.muli %add3A_37, %mul3A_38 : i32
    %while3A = arith.constant 0 : i32
    %while3A_40 = arith.subi %mul3A_39, %mul3A_36 : i32
    %while3A_41 = arith.addi %mul3A_36, %while3A_40 : i32
    %while3A_42 = arith.constant 1 : i32
    %while3A_43 = arith.divsi %while3A_40, %while3A_42 : i32
    %while3A_44 = arith.muli %while3A_43, %while3A_42 : i32
    %while3A_45 = arith.addi %mul3A_36, %while3A_44 : i32
    %while3A_46 = arith.constant 1 : i32
    scf.for %while3A_55 = %mul3A_36 to %while3A_45 step %while3A_46  : i32 {
      %dma_start3A_56 = arith.constant 0 : i32
      %dma_start3A_57 = tpu.memref_slice %arg11[%while3A_55, %dma_start3A_56] : memref<80x128xi32, #tpu.memory_space<vmem>> -> memref<1x128xi32, #tpu.memory_space<vmem>>
      %dma_start3A_58 = tpu.memref_squeeze %dma_start3A_57 : memref<1x128xi32, #tpu.memory_space<vmem>> -> memref<128xi32, #tpu.memory_space<vmem>>
      %dma_start3A_59 = arith.constant 0 : i32
      %dma_start3A_60 = arith.constant 0 : i32
      %dma_start3A_61 = tpu.memref_slice %arg14[%dma_start3A_59, %dma_start3A_60] : memref<10112x128xf32, #tpu.memory_space<vmem_shared>> -> memref<10112x128xf32, #tpu.memory_space<vmem_shared>>
      tpu.enqueue_indirect_dma source(%arg12 : memref<128x128xf32, #tpu.memory_space<vmem>>) target(%dma_start3A_61 : memref<10112x128xf32, #tpu.memory_space<vmem_shared>>) offsets(%dma_start3A_58 : memref<128xi32, #tpu.memory_space<vmem>>) semaphore(%arg17 : memref<!tpu.dma_semaphore, #tpu.memory_space<semaphore_mem>>) {add = true}
    }
    %while3A_47 = arith.constant 1 : i32
    scf.for %while3A_55 = %while3A_45 to %while3A_41 step %while3A_47  : i32 {
      %dma_start3A_56 = arith.constant 0 : i32
      %dma_start3A_57 = tpu.memref_slice %arg11[%while3A_55, %dma_start3A_56] : memref<80x128xi32, #tpu.memory_space<vmem>> -> memref<1x128xi32, #tpu.memory_space<vmem>>
      %dma_start3A_58 = tpu.memref_squeeze %dma_start3A_57 : memref<1x128xi32, #tpu.memory_space<vmem>> -> memref<128xi32, #tpu.memory_space<vmem>>
      %dma_start3A_59 = arith.constant 0 : i32
      %dma_start3A_60 = arith.constant 0 : i32
      %dma_start3A_61 = tpu.memref_slice %arg14[%dma_start3A_59, %dma_start3A_60] : memref<10112x128xf32, #tpu.memory_space<vmem_shared>> -> memref<10112x128xf32, #tpu.memory_space<vmem_shared>>
      tpu.enqueue_indirect_dma source(%arg12 : memref<128x128xf32, #tpu.memory_space<vmem>>) target(%dma_start3A_61 : memref<10112x128xf32, #tpu.memory_space<vmem_shared>>) offsets(%dma_start3A_58 : memref<128xi32, #tpu.memory_space<vmem>>) semaphore(%arg17 : memref<!tpu.dma_semaphore, #tpu.memory_space<semaphore_mem>>) {add = true}
    }
    %scan3A_48 = arith.constant 0 : i32
    %scan3A_49 = arith.constant 0 : i32
    %scan3A_50 = arith.constant 40 : i32
    %scan3A_51 = arith.addi %scan3A_49, %scan3A_50 : i32
    %scan3A_52 = arith.constant 1 : i32
    scf.for %scan3A_55 = %scan3A_49 to %scan3A_51 step %scan3A_52  : i32 {
      %dma_wait3A_56 = arith.constant 0 : i32
      %dma_wait3A_57 = arith.constant 0 : i32
      %dma_wait3A_58 = tpu.memref_slice %arg5[%dma_wait3A_56, %dma_wait3A_57] : memref<632x128xf32, #tpu.memory_space<hbm>> -> memref<128x128xf32, #tpu.memory_space<hbm>>
      %dma_wait3A_59 = arith.constant 0 : i32
      %dma_wait3A_60 = arith.constant 0 : i32
      %dma_wait3A_61 = tpu.memref_slice %arg5[%dma_wait3A_59, %dma_wait3A_60] : memref<632x128xf32, #tpu.memory_space<hbm>> -> memref<128x128xf32, #tpu.memory_space<hbm>>
      tpu.wait_dma2 semaphore(%arg17 : memref<!tpu.dma_semaphore, #tpu.memory_space<semaphore_mem>>) src(%dma_wait3A_61 : memref<128x128xf32, #tpu.memory_space<hbm>>) dst(%arg12 : memref<128x128xf32, #tpu.memory_space<vmem>>)
    }
    %scan3A_53 = arith.constant 40 : i32
    %barrier3A_54 = arith.constant 0 : index
    tpu.barrier barrier_id(%barrier3A_54)
    "tpu.region"() ({
      %run_scoped3A = tpu.sem_alloc : memref<!tpu.dma_semaphore, #tpu.memory_space<semaphore_mem>>
      %dma_start3A_55 = arith.constant 0 : i32
      %dma_start3A_56 = tpu.memref_slice %arg8[%arg0, %mul3A_0, %dma_start3A_55] : memref<2x10112x128xf32, #tpu.memory_space<hbm>> -> memref<1x632x128xf32, #tpu.memory_space<hbm>>
      %dma_start3A_57 = tpu.memref_squeeze %dma_start3A_56 : memref<1x632x128xf32, #tpu.memory_space<hbm>> -> memref<632x128xf32, #tpu.memory_space<hbm>>
      %dma_start3A_58 = arith.constant 0 : i32
      %dma_start3A_59 = tpu.memref_slice %arg14[%mul3A_0, %dma_start3A_58] : memref<10112x128xf32, #tpu.memory_space<vmem_shared>> -> memref<632x128xf32, #tpu.memory_space<vmem_shared>>
      tpu.enqueue_dma source(%dma_start3A_59 : memref<632x128xf32, #tpu.memory_space<vmem_shared>>) target(%dma_start3A_57 : memref<632x128xf32, #tpu.memory_space<hbm>>) target_semaphore(%run_scoped3A : memref<!tpu.dma_semaphore, #tpu.memory_space<semaphore_mem>>)
      %dma_wait3A_60 = arith.constant 0 : i32
      %dma_wait3A_61 = tpu.memref_slice %arg8[%arg0, %mul3A_0, %dma_wait3A_60] : memref<2x10112x128xf32, #tpu.memory_space<hbm>> -> memref<1x632x128xf32, #tpu.memory_space<hbm>>
      %dma_wait3A_62 = tpu.memref_squeeze %dma_wait3A_61 : memref<1x632x128xf32, #tpu.memory_space<hbm>> -> memref<632x128xf32, #tpu.memory_space<hbm>>
      %dma_wait3A_63 = arith.constant 0 : i32
      %dma_wait3A_64 = tpu.memref_slice %arg14[%mul3A_0, %dma_wait3A_63] : memref<10112x128xf32, #tpu.memory_space<vmem_shared>> -> memref<632x128xf32, #tpu.memory_space<vmem_shared>>
      tpu.wait_dma2 semaphore(%run_scoped3A : memref<!tpu.dma_semaphore, #tpu.memory_space<semaphore_mem>>) src(%dma_wait3A_64 : memref<632x128xf32, #tpu.memory_space<vmem_shared>>) dst(%dma_wait3A_62 : memref<632x128xf32, #tpu.memory_space<hbm>>)
      tpu.yield
    }) : () -> ()
    return
  }
}

module attributes {stable_mosaic.version = 14 : i64} {
  func.func @_tc_body(%arg0: i32, %arg1: memref<1000x256xf32, #tpu.memory_space<vmem>>, %arg2: memref<2x1000x128xf32, #tpu.memory_space<vmem>>, %arg3: memref<2x1000x128xf32, #tpu.memory_space<vmem>>, %arg4: memref<256x256xf32, #tpu.memory_space<vmem>>, %arg5: memref<128x256xf32, #tpu.memory_space<vmem>>, %arg6: memref<128x256xf32, #tpu.memory_space<vmem>>, %arg7: memref<1x256xf32, #tpu.memory_space<vmem>>, %arg8: memref<1000x256xf32, #tpu.memory_space<vmem>>) attributes {dimension_semantics = [#tpu.dimension_semantics<arbitrary>], iteration_bounds = array<i64: 10>, scalar_prefetch = 0 : i64, scratch_operands = 0 : i64, tpu.core_type = #tpu.core_type<tc>, window_params = [{transform_indices = @transform_0, window_bounds = array<i64: 1000, 256>}, {transform_indices = @transform_1, window_bounds = array<i64: 2, 1000, 128>}, {transform_indices = @transform_2, window_bounds = array<i64: 2, 1000, 128>}, {pipeline_mode = #tpu.pipeline_mode<synchronous>, transform_indices = @transform_3, window_bounds = array<i64: 256, 256>}, {pipeline_mode = #tpu.pipeline_mode<synchronous>, transform_indices = @transform_4, window_bounds = array<i64: 128, 256>}, {pipeline_mode = #tpu.pipeline_mode<synchronous>, transform_indices = @transform_5, window_bounds = array<i64: 128, 256>}, {pipeline_mode = #tpu.pipeline_mode<synchronous>, transform_indices = @transform_6, window_bounds = array<i64: 1, 256>}, {transform_indices = @transform_7, window_bounds = array<i64: 1000, 256>}]} {
    %get3A = arith.constant 0 : index
    %get3A_0 = arith.constant 0 : index
    %get3A_1 = arith.constant 0 : index
    %get3A_2 = vector.load %arg2[%get3A, %get3A_0, %get3A_1] : memref<2x1000x128xf32, #tpu.memory_space<vmem>>, vector<1x1000x128xf32>
    %get3A_3 = vector.shape_cast %get3A_2 : vector<1x1000x128xf32> to vector<1000x128xf32>
    %get3A_4 = arith.constant 1 : index
    %get3A_5 = arith.constant 0 : index
    %get3A_6 = arith.constant 0 : index
    %get3A_7 = vector.load %arg2[%get3A_4, %get3A_5, %get3A_6] : memref<2x1000x128xf32, #tpu.memory_space<vmem>>, vector<1x1000x128xf32>
    %get3A_8 = vector.shape_cast %get3A_7 : vector<1x1000x128xf32> to vector<1000x128xf32>
    %get3A_9 = arith.constant 0 : index
    %get3A_10 = arith.constant 0 : index
    %get3A_11 = arith.constant 0 : index
    %get3A_12 = vector.load %arg3[%get3A_9, %get3A_10, %get3A_11] : memref<2x1000x128xf32, #tpu.memory_space<vmem>>, vector<1x1000x1xf32>
    %get3A_13 = vector.shape_cast %get3A_12 : vector<1x1000x1xf32> to vector<1000x1xf32>
    %get3A_14 = arith.constant 1 : index
    %get3A_15 = arith.constant 0 : index
    %get3A_16 = arith.constant 0 : index
    %get3A_17 = vector.load %arg3[%get3A_14, %get3A_15, %get3A_16] : memref<2x1000x128xf32, #tpu.memory_space<vmem>>, vector<1x1000x1xf32>
    %get3A_18 = vector.shape_cast %get3A_17 : vector<1x1000x1xf32> to vector<1000x1xf32>
    %add3A = arith.addf %get3A_13, %get3A_18 : vector<1000x1xf32>
    %max3A = arith.constant 1.000000e+00 : f32
    %max3A_19 = vector.broadcast %max3A : f32 to vector<1000x1xf32>
    %max3A_20 = arith.maximumf %add3A, %max3A_19 : vector<1000x1xf32>
    %div3A = arith.constant 1.000000e+00 : f32
    %div3A_21 = vector.broadcast %div3A : f32 to vector<1000x1xf32>
    %div3A_22 = arith.divf %div3A_21, %max3A_20 : vector<1000x1xf32>
    %get3A_23 = arith.constant 0 : index
    %get3A_24 = arith.constant 0 : index
    %get3A_25 = vector.load %arg1[%get3A_23, %get3A_24] : memref<1000x256xf32, #tpu.memory_space<vmem>>, vector<1000x256xf32>
    %get3A_26 = arith.constant 0 : index
    %get3A_27 = arith.constant 0 : index
    %get3A_28 = vector.load %arg4[%get3A_26, %get3A_27] : memref<256x256xf32, #tpu.memory_space<vmem>>, vector<256x256xf32>
    %dot_general3A = arith.constant dense<0.000000e+00> : vector<1000x256xf32>
    %dot_general3A_29 = tpu.matmul %get3A_25, %get3A_28, %dot_general3A {dimension_numbers = #tpu.dot_dimension_numbers<[1], [0], [0], [1], [0, 0, 1, 1], [], []>, transpose_lhs_hint = false} : vector<1000x256xf32>, vector<256x256xf32>, vector<1000x256xf32> -> vector<1000x256xf32>
    %mul3A = vector.broadcast %div3A_22 : vector<1000x1xf32> to vector<1000x128xf32>
    %mul3A_30 = arith.mulf %get3A_3, %mul3A : vector<1000x128xf32>
    %get3A_31 = arith.constant 0 : index
    %get3A_32 = arith.constant 0 : index
    %get3A_33 = vector.load %arg5[%get3A_31, %get3A_32] : memref<128x256xf32, #tpu.memory_space<vmem>>, vector<128x256xf32>
    %dot_general3A_34 = arith.constant dense<0.000000e+00> : vector<1000x256xf32>
    %dot_general3A_35 = tpu.matmul %mul3A_30, %get3A_33, %dot_general3A_34 {dimension_numbers = #tpu.dot_dimension_numbers<[1], [0], [0], [1], [0, 0, 1, 1], [], []>, transpose_lhs_hint = false} : vector<1000x128xf32>, vector<128x256xf32>, vector<1000x256xf32> -> vector<1000x256xf32>
    %add3A_36 = arith.addf %dot_general3A_29, %dot_general3A_35 : vector<1000x256xf32>
    %mul3A_37 = vector.broadcast %div3A_22 : vector<1000x1xf32> to vector<1000x128xf32>
    %mul3A_38 = arith.mulf %get3A_8, %mul3A_37 : vector<1000x128xf32>
    %get3A_39 = arith.constant 0 : index
    %get3A_40 = arith.constant 0 : index
    %get3A_41 = vector.load %arg6[%get3A_39, %get3A_40] : memref<128x256xf32, #tpu.memory_space<vmem>>, vector<128x256xf32>
    %dot_general3A_42 = arith.constant dense<0.000000e+00> : vector<1000x256xf32>
    %dot_general3A_43 = tpu.matmul %mul3A_38, %get3A_41, %dot_general3A_42 {dimension_numbers = #tpu.dot_dimension_numbers<[1], [0], [0], [1], [0, 0, 1, 1], [], []>, transpose_lhs_hint = false} : vector<1000x128xf32>, vector<128x256xf32>, vector<1000x256xf32> -> vector<1000x256xf32>
    %add3A_44 = arith.addf %add3A_36, %dot_general3A_43 : vector<1000x256xf32>
    %get3A_45 = arith.constant 0 : index
    %get3A_46 = arith.constant 0 : index
    %get3A_47 = vector.load %arg7[%get3A_45, %get3A_46] : memref<1x256xf32, #tpu.memory_space<vmem>>, vector<1x256xf32>
    %add3A_48 = vector.broadcast %get3A_47 : vector<1x256xf32> to vector<1000x256xf32>
    %add3A_49 = arith.addf %add3A_44, %add3A_48 : vector<1000x256xf32>
    %swap3A = arith.constant 0 : index
    %swap3A_50 = arith.constant 0 : index
    %swap3A_51 = vector.load %arg8[%swap3A, %swap3A_50] : memref<1000x256xf32, #tpu.memory_space<vmem>>, vector<1000x256xf32>
    tpu.vector_store %arg8[%swap3A, %swap3A_50], %add3A_49 {strides = array<i32>} : memref<1000x256xf32, #tpu.memory_space<vmem>>, vector<1000x256xf32>,
    return
  }
  func.func @transform_0(%arg0: i32) -> (i32, i32) {
    %c0_i32 = arith.constant 0 : i32
    %c0_i32_0 = arith.constant 0 : i32
    return %arg0, %c0_i32 : i32, i32
  }
  func.func @transform_1(%arg0: i32) -> (i32, i32, i32) {
    %c0_i32 = arith.constant 0 : i32
    %c0_i32_0 = arith.constant 0 : i32
    %c0_i32_1 = arith.constant 0 : i32
    return %c0_i32, %arg0, %c0_i32_0 : i32, i32, i32
  }
  func.func @transform_2(%arg0: i32) -> (i32, i32, i32) {
    %c0_i32 = arith.constant 0 : i32
    %c0_i32_0 = arith.constant 0 : i32
    %c0_i32_1 = arith.constant 0 : i32
    return %c0_i32, %arg0, %c0_i32_0 : i32, i32, i32
  }
  func.func @transform_3(%arg0: i32) -> (i32, i32) {
    %c0_i32 = arith.constant 0 : i32
    %c0_i32_0 = arith.constant 0 : i32
    %c0_i32_1 = arith.constant 0 : i32
    return %c0_i32, %c0_i32_0 : i32, i32
  }
  func.func @transform_4(%arg0: i32) -> (i32, i32) {
    %c0_i32 = arith.constant 0 : i32
    %c0_i32_0 = arith.constant 0 : i32
    %c0_i32_1 = arith.constant 0 : i32
    return %c0_i32, %c0_i32_0 : i32, i32
  }
  func.func @transform_5(%arg0: i32) -> (i32, i32) {
    %c0_i32 = arith.constant 0 : i32
    %c0_i32_0 = arith.constant 0 : i32
    %c0_i32_1 = arith.constant 0 : i32
    return %c0_i32, %c0_i32_0 : i32, i32
  }
  func.func @transform_6(%arg0: i32) -> (i32, i32) {
    %c0_i32 = arith.constant 0 : i32
    %c0_i32_0 = arith.constant 0 : i32
    %c0_i32_1 = arith.constant 0 : i32
    return %c0_i32, %c0_i32_0 : i32, i32
  }
  func.func @transform_7(%arg0: i32) -> (i32, i32) {
    %c0_i32 = arith.constant 0 : i32
    %c0_i32_0 = arith.constant 0 : i32
    return %arg0, %c0_i32 : i32, i32
  }
}

</mosaic_0001>

<sc_bundles>
// kernel: kernel.4.cloned.1.call-start
scs
__scs_entry_jumppad:
0x0: {  	(pc) =	sbr.rel $0x88, $3  }
0x1: {  	(tag) =	ssettag $0x0;
	lr =	simm.s32 $0x1  }
0x2: {  	[smem:$0x3F9D] =	sst lr;
	_ =	strace $0xD0000000  }
0x3: {  	_ = 	snop  }
0x4: {  	_ = 	snop  }
0x5: {  	_ = 	snop  }
0x6: {  	_ = 	snop  }
0x7: {  	_ = 	snop  }
__scs_overlays_trampoline_lowered:
0x8: {  	[smem:$0x3FAC] =	sst s0  }
0x9: {  	[smem:$0x3FAD] =	sst s1  }
0xa: {  	[smem:$0x3FAE] =	sst s2  }
0xb: {  	[smem:$0x3FAF] =	sst s3  }
0xc: {  	[smem:$0x3FB0] =	sst s4  }
0xd: {  	[smem:$0x3FB1] =	sst s5  }
0xe: {  	[smem:$0x3FB2] =	sst s6  }
0xf: {  	[smem:$0x3FB3] =	sst s7  }
0x10: {  	[smem:$0x3FB4] =	sst s8  }
0x11: {  	[smem:$0x3FB5] =	sst s9;
	s0 =	simm.s32 @!p0 $0x0  }
0x12: {  	s1 =	sld [smem:$0x3F9B];
	s0 =	simm.s32 @p0 $0x1  }
0x13: {  	[smem:$0x3FB6] =	sst s0;
	s0 =	simm.s32 @!p1 $0x0  }
0x14: {  	s2 =	sld [smem:$0x3F9A];
	s0 =	simm.s32 @p1 $0x1  }
0x15: {  	[smem:$0x3FB7] =	sst s0;
	s0 =	simm.s32 @!p2 $0x0  }
0x16: {  	s3 =	sld [smem:$0x3FDB];
	s0 =	simm.s32 @p2 $0x1  }
0x17: {  	s4 =	simm.s32 $0x1BF5;
	[smem:$0x3FB9] =	sst s0  }
0x18: {  	s0 =	sld [smem:$0x3F9C];
	_ =	swait.ge [sflag:s4], $0x0  }
0x19: {  	s7 =	sld [smem:$0x3F9D]  }
0x1a: {  	s8 =	sadd.s32 $0xFFFFE003, lr  }
0x1b: {  	s9 =	sadd.s32 $0xFFFFFEF7, lr;
	s5 =	simm.s32 $0xFFFFFFFF;
	p2 =	slt.u32 s8, $0xFFFFF086  }
0x1c: {  	p1 =	slt.u32 s9, $0xF7A;
	s5 =	simm.s32 @!p2 $0x0  }
0x1d: {  	s5 =	simm.s32 @p1 $0x1;
	p0 =	seq.s32 s7, s2  }
0x1e: {  	s7 =	smul.u32 @!p0 $0xF7A, s2;
	p2 =	seq.s32 @!p0 s5, $0x0  }
0x1f: {  	s9 =	smul.u32 $0xF7A, s1;
	s8 =	simm.s32 @!p0 $0x1BF5;
	p2 =	por !p2, p0  }
0x20: {  	[sflag:s8] =	ssyncset.s32 @!p0 $0xFFFFF086;
	s6 =	sadd.s32 @!p0 s3, s7;
	s7 =	simm.s32 @!p0 $0x108  }
0x21: {  	s3 =	sadd.s32 s3, s9;
	s6 =	sadd.s32 @!p0 $0x88, s6;
	s7 =	simm.s32 @p2 $0x1082  }
0x22: {  	[simem:s7], [sflag:s8] =	dma.local @!p0 [hbm:s6], $0xF7A  }
0x23: {  	s9 =	sor.u32 $0xD0000000, s2;
	s6 =	simm.s32 $0x108;
	_ =	swait.ge @!p0 [sflag:s8], $0x0  }
0x24: {  	s3 =	sadd.s32 $0x88, s3;
	s6 =	simm.s32 @!p1 $0x1082;
	[sflag:s4] =	ssyncset.s32 $0xFFFFF086  }
0x25: {  	[simem:s6], [sflag:s4] =	dma.local [hbm:s3], $0xF7A  }
0x26: {  	[smem:$0x3F9D] =	sst s1;
	(tag) =	ssettag s2;
	_ =	strace s9  }
0x27: {  	s1 =	sld [smem:$0x3FAD]  }
0x28: {  	s2 =	sld [smem:$0x3FAE]  }
0x29: {  	s4 =	sld [smem:$0x3FB0]  }
0x2a: {  	p0 =	seq.s32 s5, $0x0;
	s5 =	sld [smem:$0x3FB1]  }
0x2b: {  	s6 =	sld [smem:$0x3FB2]  }
0x2c: {  	s7 =	sld [smem:$0x3FB3]  }
0x2d: {  	s3 =	simm.s32 $0x108;
	s8 =	sld [smem:$0x3FB4]  }
0x2e: {  	s3 =	simm.s32 @!p0 $0x1082;
	s9 =	sld [smem:$0x3FB5]  }
0x2f: {  	lr =	sadd.s32 s0, s3;
	s0 =	sld [smem:$0x3FAC]  }
0x30: {  	s3 =	sld [smem:$0x3FAF]  }
0x31: {  	[smem:$0x3FB8] =	sst s10  }
0x32: {  	s10 =	sld [smem:$0x3FB6];
	_ =	sdelay $0x3  }
0x33: {  	p0 =	seq.s32 s10, $0x1;
	s10 =	sld [smem:$0x3FB8];
	_ =	sdelay $0x3  }
0x34: {  	[smem:$0x3FB8] =	sst s10  }
0x35: {  	s10 =	sld [smem:$0x3FB7];
	_ =	sdelay $0x3  }
0x36: {  	p1 =	seq.s32 s10, $0x1;
	s10 =	sld [smem:$0x3FB8];
	_ =	sdelay $0x3  }
0x37: {  	[smem:$0x3FB8] =	sst s10  }
0x38: {  	s10 =	sld [smem:$0x3FB9]  }
0x39: {  	_ = 	snop;
	(pc) =	sbr.ind lr, $3  }
0x3a: {  	_ = 	snop  }
0x3b: {  	_ = 	snop  }
0x3c: {  	p2 =	seq.s32 s10, $0x1;
	s10 =	sld [smem:$0x3FB8]  }
0x3d: {  	_ =	shalt  }
0x3e: {  	_ =	shalt  }
0x3f: {  	_ =	shalt  }
0x40: {  	_ =	shalt  }
0x41: {  	_ =	shalt  }
0x42: {  	_ =	shalt  }
0x43: {  	_ =	shalt  }
0x44: {  	_ =	shalt  }
0x45: {  	_ =	shalt  }
0x46: {  	_ =	shalt  }
0x47: {  	_ =	shalt  }
0x48: {  	_ =	shalt  }
0x49: {  	_ =	shalt  }
0x4a: {  	_ =	shalt  }
0x4b: {  	_ =	shalt  }
0x4c: {  	_ =	shalt  }
0x4d: {  	_ =	shalt  }
0x4e: {  	_ =	shalt  }
0x4f: {  	_ =	shalt  }
0x50: {  	_ =	shalt  }
0x51: {  	_ =	shalt  }
0x52: {  	_ =	shalt  }
0x53: {  	_ =	shalt  }
0x54: {  	_ =	shalt  }
0x55: {  	_ =	shalt  }
0x56: {  	_ =	shalt  }
0x57: {  	_ =	shalt  }
0x58: {  	_ =	shalt  }
0x59: {  	_ =	shalt  }
0x5a: {  	_ =	shalt  }
0x5b: {  	_ =	shalt  }
0x5c: {  	_ =	shalt  }
0x5d: {  	_ =	shalt  }
0x5e: {  	_ =	shalt  }
0x5f: {  	_ =	shalt  }
0x60: {  	_ =	shalt  }
0x61: {  	_ =	shalt  }
0x62: {  	_ =	shalt  }
0x63: {  	_ =	shalt  }
0x64: {  	_ =	shalt  }
0x65: {  	_ =	shalt  }
0x66: {  	_ =	shalt  }
0x67: {  	_ =	shalt  }
0x68: {  	_ =	shalt  }
0x69: {  	_ =	shalt  }
0x6a: {  	_ =	shalt  }
0x6b: {  	_ =	shalt  }
0x6c: {  	_ =	shalt  }
0x6d: {  	_ =	shalt  }
0x6e: {  	_ =	shalt  }
0x6f: {  	_ =	shalt  }
0x70: {  	_ =	shalt  }
0x71: {  	_ =	shalt  }
0x72: {  	_ =	shalt  }
0x73: {  	_ =	shalt  }
0x74: {  	_ =	shalt  }
0x75: {  	_ =	shalt  }
0x76: {  	_ =	shalt  }
0x77: {  	_ =	shalt  }
0x78: {  	_ =	shalt  }
0x79: {  	_ =	shalt  }
0x7a: {  	_ =	shalt  }
0x7b: {  	_ =	shalt  }
0x7c: {  	_ =	shalt  }
0x7d: {  	_ =	shalt  }
0x7e: {  	_ =	shalt  }
0x7f: {  	_ =	shalt  }
0x80: {  	_ =	shalt  }
0x81: {  	_ =	shalt  }
0x82: {  	_ =	shalt  }
0x83: {  	_ =	shalt  }
0x84: {  	_ =	shalt  }
0x85: {  	_ =	shalt  }
0x86: {  	_ =	shalt  }
0x87: {  	_ =	shalt  }
.Lfunc_end0:
.L_simem_size_0:
called_computation_lowered:
.L_overlay_start_0:
0x88: {  	s2 =	sld [smem:$0x3FD9]  }
0x89: {  	s3 =	sld [smem:$0x3FFE];
	_ =	sdelay $0x1  }
0x8a: {  	s1 =	srdreg.scid  }
0x8b: {  	s0 =	sand.u32 $0x1, s1  }
0x8c: {  	s17 =	sshll.u32 s0, $0xA;
	s2 =	sadd.s32 s3, s2  }
0x8d: {  	s2 =	sadd.s32 s2, s17  }
0x8e: {  	[smem:$0x3FC4] =	sst s2  }
0x8f: {  	_ = 	snop  }
0x90: {  	s2 =	sld [smem:$0x3FD0];
	(tm) =	ssettm $0x1  }
0x91: {  	s18 =	sld [smem:$0x3FFB];
	_ =	sdelay $0x3  }
0x92: {  	_ =	strace s18  }
0x93: {  	s3 =	sld [smem:$0x3FFC];
	_ =	sdelay $0x3  }
0x94: {  	_ =	strace s3  }
0x95: {  	s3 =	sld [smem:$0x3FFD];
	_ =	sdelay $0x3  }
0x96: {  	_ =	strace s3  }
0x97: {  	_ =	strace $0x8FFFFFFF  }
0x98: {  	s19 =	sld [smem:$0x3FDB];
	_ =	sdelay $0x1  }
0x99: {  	s4 =	simm.s32 $_scs_section_size  }
0x9a: {  	s5 =	simm.s32 $_size__tile_overlayer_lowered;
	s6 =	simm.s32 $_tile_overlayer_lowered  }
0x9b: {  	s22 =	simm.s32 $0x1BFF;
	s21 =	sshll.u32 s6, $0x1;
	s3 =	sadd.s32 s4, s19  }
0x9c: {  	s7 =	simm.s32 $0x0;
	s20 =	sshll.u32 s5, $0x1;
	s5 =	sadd.s32 s21, s3  }
0x9d: {  	[timem:s7], [sflag:s22] =	dma.local [hbm:s5], s20  }
0x9e: {  	_ =	swait.ge [sflag:s22], s20  }
0x9f: {  	s4 =	ssub.s32 $0x0, s20;
	[sflag:s22] =	ssyncset.done $0x0  }
0xa0: {  	[sflag:s22] =	ssyncadd.s32 s4;
	_ =	sdelay $0x1  }
0xa1: {  	s23 =	simm.s32 $0x1B8B  }
0xa2: {  	_ =	swait.ge [sflag:s23], $0x1  }
0xa3: {  	[sflag:s23] =	ssyncset.done $0x0  }
0xa4: {  	s25 =	simm.s32 $0x1B8E;
	s24 =	sld [smem:$0x3FFE];
	[sflag:s23] =	ssyncadd.s32 $0xFFFFFFFF  }
0xa5: {  	s26 =	simm.s32 $execute0_lowered;
	[smem:$0x3FD2] =	sst s25  }
0xa6: {  	s5 =	sshll.u32 s26, $0x1;
	_ =	strace $0x80000046;
	[dreg:$0x1] =	wrdreg $0xFFFFFFFF  }
0xa7: {  	s28 =	simm.s32 $_size_execute0_lowered;
	s3 =	sadd.s32 s3, s5;
	[dreg:$0x0] =	wrdreg $0x0  }
0xa8: {  	s5 =	sshll.u32 s28, $0x1;
	[dreg:$0x2] =	wrdreg s3  }
0xa9: {  	[dreg:$0x3] =	wrdreg s5  }
0xaa: {  	[dreg:$0x4] =	wrdreg $0xC0  }
0xab: {  	_ =	task [dreg:s7], $0x5FFFF  }
0xac: {  	[dreg:$0x1] =	wrdreg $0xFFFFFFFF  }
0xad: {  	[dreg:$0x0] =	wrdreg $0x60  }
0xae: {  	[dreg:$0x2] =	wrdreg s2  }
0xaf: {  	[dreg:$0x3] =	wrdreg s24  }
0xb0: {  	[dreg:$0x4] =	wrdreg $0xA9000  }
0xb1: {  	[dreg:$0x5] =	wrdreg $0x9  }
0xb2: {  	_ =	task.clear_ibuf [dreg:s7], $0x6FFFF;
	_ =	strace $0x90000046  }
0xb3: {  	s29 =	simm.s32 $0x9;
	_ =	strace $0x80000048  }
0xb4: {  	_ =	swait.ge [sflag:s29], $0x1  }
0xb5: {  	[sflag:s29] =	ssyncadd.s32 $0xFFFFFFFF  }
0xb6: {  	_ =	strace $0x90000048  }
0xb7: {  	_ =	sfence  }
0xb8: {  	s30 =	sld [smem:$0x0];
	_ =	sdelay $0x2  }
0xb9: {  	s31 =	sshll.u32 s1, $0xD;
	s1 =	sshrl.u32 s1, $0x2  }
0xba: {  	s3 =	sand.u32 $0x4000, s31;
	s1 =	sadd.s32 s1, s30  }
0xbb: {  	s0 =	sor.u32 s3, s0;
	s1 =	sshll.u32 s1, $0x11  }
0xbc: {  	s0 =	sor.u32 s1, s0  }
0xbd: {  	s0 =	sadd.s32 $0x8F2B, s0  }
0xbe: {  	[sflag:s0] =	ssyncadd.remote.s32 $0x1  }
0xbf: {  	_ =	sfence.sel $0xFFFF  }
0xc0: {  	[dreg:$0x0] =	wrdreg $0xFFFFFFFF;
	(pc) =	sbr.abs _section_cstart, $3  }
0xc1: {  	[dreg:$0x1] =	wrdreg $0xFFFFFFFF  }
0xc2: {  	_ =	task.clear_ibuf [dreg:s7], $0x2FFFF;
	_ =	strace $0x9FFFFFFF  }
0xc3: {  	(tm) =	ssettm $0x7FFFFFFF  }
tec
execute0_lowered:
.L_overlay_start_1:
0x0: {  	(tag) =	ssettag $0x1  }
0x1: {  	s1 =	rddreg [dreg:$0x0]  }
0x2: {  	s0 =	rddreg [dreg:$0x1];
	s14 =	stileid.u32  }
0x3: {  	s2 =	srdreg.scid;
	s6 =	smul.u32 $0x500, s14  }
0x4: {  	s3 =	rddreg [dreg:$0x2];
	s8 =	smul.u32 $0x13C00, s14  }
0x5: {  	s4 =	simm.s32 $0x0;
	s2 =	sand.u32 $0x1, s2;
	s15 =	smul.u32 $0x4F000, s14  }
0x6: {  	[smem:$0x7FF] =	sst s4;
	s5 =	sadd.s32 $0x1A00, s0;
	s7 =	smul.u32 $0x13C000, s2  }
0x7: {  	s13 =	sadd.s32 $0x13200, s0;
	_ =	strace $0x80000047;
	s12 =	smul.u32 $0x28000, s2  }
0x8: {  	[dreg:$0x4] =	wrdreg s13;
	s9 =	ssub.s32 $0x2, s2;
	s2 =	smul.u32 $0x5000, s2  }
0x9: {  	s10 =	sadd.s32 s6, s0;
	s6 =	sadd.s32 $0x10A00, s0;
	s7 =	sadd.s32 s8, s7  }
0xa: {  	s8 =	sshrl.u32 s15, $0x2;
	s10 =	sadd.s32 $0xBA00, s10;
	s7 =	sshrl.u32 s7, $0x3  }
0xb: {  	s8 =	sadd.s32 s8, s3;
	[dreg:$0x6] =	wrdreg s10;
	s0 =	sadd.s32 s7, s0  }
0xc: {  	s16 =	sshrl.u32 s9, $0x1;
	[dreg:$0x5] =	wrdreg s8;
	s19 =	sadd.s32 $0x13A00, s0  }
0xd: {  	s7 =	ssub.s32 s9, s16;
	s0 =	sadd.s32 $0x62A00, s0;
	[dreg:$0x7] =	wrdreg s19  }
0xe: {  	s20 =	smax.u32 s7, $0x1;
	[dreg:$0x8] =	wrdreg s0;
	s0 =	sshrl.u32 s2, $0x2  }
0xf: {  	s11 =	sshrl.u32 s14, $0x3;
	[dreg:$0x9] =	wrdreg s20;
	s21 =	sor.u32 $0x100, s0  }
0x10: {  	s11 =	smul.u32 $0x14000, s11;
	s22 =	sor.u32 $0x180, s0;
	[dreg:$0xa] =	wrdreg s21  }
0x11: {  	s13 =	sshll.u32 s14, $0x7;
	s23 =	sor.u32 $0x200, s0;
	[dreg:$0xb] =	wrdreg s22  }
0x12: {  	s18 =	sand.u32 $0x380, s13;
	s24 =	sor.u32 $0x280, s0;
	[dreg:$0xc] =	wrdreg s23  }
0x13: {  	s11 =	sadd.s32 s12, s11;
	s25 =	sor.u32 $0x300, s0;
	[dreg:$0xd] =	wrdreg s24  }
0x14: {  	s8 =	sor.u32 s18, s11;
	s26 =	sor.u32 $0x380, s0;
	[dreg:$0xe] =	wrdreg s25  }
0x15: {  	s11 =	sor.u32 s11, s13;
	s7 =	sadd.s32 $0x400, s0;
	[dreg:$0xf] =	wrdreg s26  }
0x16: {  	s10 =	sor.u32 $0xC00, s11;
	s11 =	sadd.s32 $0x480, s0;
	[dreg:$0x10] =	wrdreg s7  }
0x17: {  	s13 =	sadd.s32 $0x500, s0;
	[dreg:$0x11] =	wrdreg s11  }
0x18: {  	s17 =	sshll.u32 s14, $0x6;
	s14 =	sadd.s32 $0x580, s0;
	[dreg:$0x12] =	wrdreg s13  }
0x19: {  	s15 =	sadd.s32 $0x600, s0;
	[dreg:$0x13] =	wrdreg s14  }
0x1a: {  	s16 =	sadd.s32 $0x680, s0;
	[dreg:$0x14] =	wrdreg s15  }
0x1b: {  	s9 =	sor.u32 $0x1C05, s17;
	s17 =	sadd.s32 $0x700, s0;
	[dreg:$0x15] =	wrdreg s16  }
0x1c: {  	s18 =	sadd.s32 $0x780, s0;
	[dreg:$0x16] =	wrdreg s17  }
0x1d: {  	s19 =	sadd.s32 $0x800, s0;
	[dreg:$0x17] =	wrdreg s18  }
0x1e: {  	s20 =	sadd.s32 $0x880, s0;
	[dreg:$0x18] =	wrdreg s19  }
0x1f: {  	[dreg:$0x19] =	wrdreg s20;
	s21 =	sadd.s32 $0x900, s0  }
0x20: {  	s22 =	sadd.s32 $0x980, s0;
	[dreg:$0x1a] =	wrdreg s21  }
0x21: {  	s23 =	sadd.s32 $0xA00, s0;
	[dreg:$0x1b] =	wrdreg s22  }
0x22: {  	s24 =	sadd.s32 $0xA80, s0;
	[dreg:$0x1c] =	wrdreg s23  }
0x23: {  	s25 =	sadd.s32 $0xB00, s0;
	[dreg:$0x1d] =	wrdreg s24  }
0x24: {  	s26 =	sadd.s32 $0xB80, s0;
	[dreg:$0x1e] =	wrdreg s25  }
0x25: {  	s7 =	sadd.s32 $0xC00, s0;
	[dreg:$0x1f] =	wrdreg s26  }
0x26: {  	s11 =	sadd.s32 $0xC80, s0;
	[smem:$0x7F2] =	sst s7  }
0x27: {  	s13 =	sadd.s32 $0xD00, s0;
	[smem:$0x7F3] =	sst s11  }
0x28: {  	s14 =	sadd.s32 $0xD80, s0;
	[smem:$0x7F4] =	sst s13  }
0x29: {  	s12 =	sshrl.u32 s8, $0x3;
	s15 =	sadd.s32 $0xE00, s0;
	[smem:$0x7F5] =	sst s14  }
0x2a: {  	s12 =	sadd.s32 s5, s12;
	s16 =	sadd.s32 $0xE80, s0;
	[smem:$0x7F6] =	sst s15  }
0x2b: {  	s2 =	sor.u32 $0x800, s8;
	s17 =	sadd.s32 $0xF00, s0;
	[smem:$0x7F7] =	sst s16  }
0x2c: {  	s8 =	simm.s32 $0x80;
	s18 =	sadd.s32 $0xF80, s0;
	[smem:$0x7F8] =	sst s17  }
0x2d: {  	s28 =	sadd.s32 $0x1380, s0;
	s19 =	sadd.s32 $0x1000, s0;
	[smem:$0x7F9] =	sst s18  }
0x2e: {  	s29 =	sadd.s32 $0x1400, s0;
	s20 =	sadd.s32 $0x1080, s0;
	[smem:$0x7FA] =	sst s19  }
0x2f: {  	s30 =	sadd.s32 $0x1480, s0;
	[smem:$0x7FB] =	sst s20;
	s21 =	sadd.s32 $0x1100, s0  }
0x30: {  	s22 =	sadd.s32 $0x1180, s0;
	s24 =	sadd.s32 $0x1200, s0;
	s25 =	sadd.s32 $0x1280, s0  }
0x31: {  	s26 =	sadd.s32 $0x1300, s0;
	s23 =	sshrl.u32 s10, $0x3;
	s0 =	sadd.s32 $0x80, s12  }
0x32: {  	s7 =	simm.s32 $0x5;
	s10 =	simm.s32 $0x1;
	s13 =	simm.s32 $0x2  }
0x33: {  	s14 =	simm.s32 $0x6900;
	s15 =	simm.s32 $0x3;
	[smem:$0x7FC] =	sst s21  }
0x34: {  	s16 =	simm.s32 $0x4;
	s17 =	simm.s32 $0x0;
	[smem:$0x7FD] =	sst s22  }
0x35: {  	s31 =	sadd.s32 s23, s5;
	s23 =	smov.u32 s12;
	s12 =	simm.s32 $0x2900  }
.LBB2_1:
0x36: {  	s11 =	rddreg [dreg:$0x5]  }
0x37: {  	s11 =	sshrl.u32 s11, $0x3  }
0x38: {  	[spmem:s11], [sflag:s9] =	dma.local [hbm:s6], $0x2780  }
0x39: {  	_ =	swait.ge [sflag:s7], $0x2780  }
0x3a: {  	[sflag:s7] =	ssyncset.done $0x0  }
0x3b: {  	s19 =	simm.s32 $0x100;
	s18 =	rddreg [dreg:$0x6];
	[sflag:s7] =	ssyncadd.s32 $0xFFFFD880  }
0x3c: {  	[tilespmem:s19], [sflag:$0x5] =	stream.linear.gather [hbm4b:s18+s4], $0x2800, $0x38;
	[tilespmem:$0x1E500] =	vst v63  }
0x3d: {  	_ =	swait.ge [sflag:s7], $0x2800  }
0x3e: {  	[sflag:s7] =	ssyncset.done $0x0  }
0x3f: {  	[sflag:s7] =	ssyncadd.s32 $0xFFFFD800  }
0x40: {  	[bflag:$0x0] =	sbarrier.arrive $0xFFFF  }
0x41: {  	[tilespmem:s4], [sflag:$0x1] =	stream.linear.gather [hbm4b:s23+s4], $0x80, $0x38;
	[tilespmem:$0x1E500] =	vst v63  }
0x42: {  	_ = 	snop  }
0x43: {  	[tilespmem:s8], [sflag:$0x2] =	stream.linear.gather [hbm4b:s0+s4], $0x80, $0x38;
	[tilespmem:$0x1E500] =	vst v63  }
0x44: {  	_ =	swait.ge [sflag:s10], $0x80  }
0x45: {  	[sflag:s10] =	ssyncset.done $0x0  }
0x46: {  	[sflag:s10] =	ssyncadd.s32 $0xFFFFFF80  }
0x47: {  	[tilespmem:s12], [sflag:$0x3] =	stream.indirect.gather [hbm4b:s1+s8], $0x80, s4, s8, $0xb8;
	[tilespmem:$0x1E500] =	vst v63  }
0x48: {  	_ =	swait.ge [sflag:s13], $0x80  }
0x49: {  	[sflag:s13] =	ssyncset.done $0x0  }
0x4a: {  	[sflag:s13] =	ssyncadd.s32 $0xFFFFFF80  }
0x4b: {  	[tilespmem:s14], [sflag:$0x4] =	stream.indirect.gather [hbm4b:s1+s8], $0x80, s8, s8, $0xb8;
	[tilespmem:$0x1E500] =	vst v63  }
0x4c: {  	_ =	swait.ge [sflag:s15], $0x4000  }
0x4d: {  	s19 =	sshrl.u32 s2, $0x3;
	[sflag:s15] =	ssyncset.done $0x0  }
0x4e: {  	s18 =	sadd.s32 s5, s19;
	[sflag:s15] =	ssyncadd.s32 $0xFFFFC000  }
0x4f: {  	[tilespmem:s4], [sflag:$0x1] =	stream.linear.gather [hbm4b:s18+s4], $0x80, $0x38;
	[tilespmem:$0x1E500] =	vst v63  }
0x50: {  	s20 =	simm.s32 $0x100  }
0x51: {  	[spmem:s3] =	stream.indirect.scatter.add.f32 [tilespmem:s12], [sflag:$0x5], $0x80, s20, s8, $0xb8;
	[tilespmem:$0x1E500] =	vst v63  }
0x52: {  	_ =	swait.ge [sflag:s7], $0x4000  }
0x53: {  	[sflag:s7] =	ssyncset.done $0x0  }
0x54: {  	[sflag:s7] =	ssyncadd.s32 $0xFFFFC000  }
0x55: {  	_ =	swait.ge [sflag:s10], $0x80  }
0x56: {  	[sflag:s10] =	ssyncset.done $0x0  }
0x57: {  	[sflag:s10] =	ssyncadd.s32 $0xFFFFFF80  }
0x58: {  	[tilespmem:s12], [sflag:$0x3] =	stream.indirect.gather [hbm4b:s1+s8], $0x80, s4, s8, $0xb8;
	[tilespmem:$0x1E500] =	vst v63  }
0x59: {  	_ =	swait.ge [sflag:s16], $0x4000  }
0x5a: {  	[sflag:s16] =	ssyncset.done $0x0  }
0x5b: {  	s21 =	sadd.s32 $0x0, s31;
	[sflag:s16] =	ssyncadd.s32 $0xFFFFC000  }
0x5c: {  	[tilespmem:s8], [sflag:$0x2] =	stream.linear.gather [hbm4b:s21+s4], $0x80, $0x38;
	[tilespmem:$0x1E500] =	vst v63  }
0x5d: {  	s22 =	simm.s32 $0x180  }
0x5e: {  	[spmem:s3] =	stream.indirect.scatter.add.f32 [tilespmem:s14], [sflag:$0x5], $0x80, s22, s8, $0xb8;
	[tilespmem:$0x1E500] =	vst v63  }
0x5f: {  	_ =	swait.ge [sflag:s7], $0x4000  }
0x60: {  	[sflag:s7] =	ssyncset.done $0x0  }
0x61: {  	[sflag:s7] =	ssyncadd.s32 $0xFFFFC000  }
0x62: {  	_ =	swait.ge [sflag:s13], $0x80  }
0x63: {  	s19 =	simm.s32 $0x280;
	[sflag:s13] =	ssyncset.done $0x0  }
0x64: {  	s18 =	simm.s32 $0x100;
	s20 =	sadd.s32 $0x800, s2;
	[sflag:s13] =	ssyncadd.s32 $0xFFFFFF80  }
.LBB2_2:
0x65: {  	[tilespmem:s14], [sflag:$0x4] =	stream.indirect.gather [hbm4b:s1+s8], $0x80, s8, s8, $0xb8;
	[tilespmem:$0x1E500] =	vst v63  }
0x66: {  	s21 =	smov.u32 s18  }
0x67: {  	p0 =	sne.s32 s18, $0x2600;
	s18 =	sadd.s32 $0x100, s18;
	_ =	swait.ge [sflag:s15], $0x4000  }
0x68: {  	s22 =	sshrl.u32 s20, $0x3;
	[sflag:s15] =	ssyncset.done $0x0  }
0x69: {  	s22 =	sadd.s32 s5, s22;
	[sflag:s15] =	ssyncadd.s32 $0xFFFFC000  }
0x6a: {  	[tilespmem:s4], [sflag:$0x1] =	stream.linear.gather [hbm4b:s22+s4], $0x80, $0x38;
	[tilespmem:$0x1E500] =	vst v63  }
0x6b: {  	s22 =	sadd.s32 $0xFFFFFF80, s19  }
0x6c: {  	[spmem:s3] =	stream.indirect.scatter.add.f32 [tilespmem:s12], [sflag:$0x5], $0x80, s22, s8, $0xb8;
	[tilespmem:$0x1E500] =	vst v63  }
0x6d: {  	_ =	swait.ge [sflag:s7], $0x4000  }
0x6e: {  	[sflag:s7] =	ssyncset.done $0x0  }
0x6f: {  	[sflag:s7] =	ssyncadd.s32 $0xFFFFC000  }
0x70: {  	_ =	swait.ge [sflag:s10], $0x80  }
0x71: {  	[sflag:s10] =	ssyncset.done $0x0  }
0x72: {  	[sflag:s10] =	ssyncadd.s32 $0xFFFFFF80  }
0x73: {  	[tilespmem:s12], [sflag:$0x3] =	stream.indirect.gather [hbm4b:s1+s8], $0x80, s4, s8, $0xb8;
	[tilespmem:$0x1E500] =	vst v63  }
0x74: {  	_ =	swait.ge [sflag:s16], $0x4000  }
0x75: {  	[sflag:s16] =	ssyncset.done $0x0  }
0x76: {  	s21 =	sadd.s32 s21, s31;
	[sflag:s16] =	ssyncadd.s32 $0xFFFFC000  }
0x77: {  	[tilespmem:s8], [sflag:$0x2] =	stream.linear.gather [hbm4b:s21+s4], $0x80, $0x38;
	[tilespmem:$0x1E500] =	vst v63  }
0x78: {  	_ = 	snop  }
0x79: {  	[spmem:s3] =	stream.indirect.scatter.add.f32 [tilespmem:s14], [sflag:$0x5], $0x80, s19, s8, $0xb8;
	[tilespmem:$0x1E500] =	vst v63  }
0x7a: {  	_ =	swait.ge [sflag:s7], $0x4000  }
.Ltmp0:
0x7b: {  	[sflag:s7] =	ssyncset.done $0x0;
	(pc) =	sbr.rel @p0 .LBB2_2-.Ltmp0, $4  }
0x7c: {  	[sflag:s7] =	ssyncadd.s32 $0xFFFFC000  }
0x7d: {  	_ =	swait.ge [sflag:s13], $0x80  }
0x7e: {  	[sflag:s13] =	ssyncset.done $0x0  }
0x7f: {  	s20 =	sadd.s32 $0x800, s20;
	s19 =	sadd.s32 $0x100, s19;
	[sflag:s13] =	ssyncadd.s32 $0xFFFFFF80  }
0x80: {  	[tilespmem:s14], [sflag:$0x4] =	stream.indirect.gather [hbm4b:s1+s8], $0x80, s8, s8, $0xb8;
	[tilespmem:$0x1E500] =	vst v63  }
0x81: {  	_ =	swait.ge [sflag:s15], $0x4000  }
0x82: {  	[sflag:s15] =	ssyncset.done $0x0  }
0x83: {  	s18 =	simm.s32 $0x2800;
	[sflag:s15] =	ssyncadd.s32 $0xFFFFC000  }
0x84: {  	[spmem:s3] =	stream.indirect.scatter.add.f32 [tilespmem:s12], [sflag:$0x5], $0x80, s18, s8, $0xb8;
	[tilespmem:$0x1E500] =	vst v63  }
0x85: {  	_ =	swait.ge [sflag:s7], $0x4000  }
0x86: {  	[sflag:s7] =	ssyncset.done $0x0  }
0x87: {  	[sflag:s7] =	ssyncadd.s32 $0xFFFFC000  }
0x88: {  	_ =	swait.ge [sflag:s16], $0x4000  }
0x89: {  	[sflag:s16] =	ssyncset.done $0x0  }
0x8a: {  	s22 =	simm.s32 $0x2880;
	[sflag:s16] =	ssyncadd.s32 $0xFFFFC000  }
0x8b: {  	[spmem:s3] =	stream.indirect.scatter.add.f32 [tilespmem:s14], [sflag:$0x5], $0x80, s22, s8, $0xb8;
	[tilespmem:$0x1E500] =	vst v63  }
0x8c: {  	_ =	swait.ge [sflag:s7], $0x4000  }
0x8d: {  	[sflag:s7] =	ssyncset.done $0x0  }
0x8e: {  	[sflag:s7] =	ssyncadd.s32 $0xFFFFC000  }
0x8f: {  	[bflag:$0x0] =	sbarrier.arrive $0xFFFF  }
0x90: {  	s19 =	rddreg [dreg:$0x7]  }
0x91: {  	[hbm:s19], [sflag:s9] =	dma.local [spmem:s11], $0x2780  }
0x92: {  	_ =	swait.ge [sflag:s7], $0x2780  }
0x93: {  	[sflag:s7] =	ssyncset.done $0x0  }
0x94: {  	[sflag:s7] =	ssyncadd.s32 $0xFFFFD880  }
0x95: {  	[spmem:s11], [sflag:s9] =	dma.local [hbm:s6], $0x2780  }
0x96: {  	_ =	swait.ge [sflag:s7], $0x2780  }
0x97: {  	[sflag:s7] =	ssyncset.done $0x0  }
0x98: {  	s20 =	rddreg [dreg:$0x4];
	[sflag:s7] =	ssyncadd.s32 $0xFFFFD880  }
0x99: {  	[tilespmem:s12], [sflag:$0x5] =	stream.linear.gather [hbm4b:s20+s4], $0x4000, $0x38;
	[tilespmem:$0x1E500] =	vst v63  }
0x9a: {  	_ =	swait.ge [sflag:s7], $0x4000  }
0x9b: {  	[sflag:s7] =	ssyncset.done $0x0  }
0x9c: {  	[sflag:s7] =	ssyncadd.s32 $0xFFFFC000  }
0x9d: {  	[bflag:$0x0] =	sbarrier.arrive $0xFFFF  }
0x9e: {  	s21 =	rddreg [dreg:$0xa]  }
0x9f: {  	s22 =	rddreg [dreg:$0xb]  }
0xa0: {  	[spmem:s3] =	stream.indirect.scatter.add.f32 [tilespmem:s12], [sflag:$0x3], $0x80, s21, s8, $0xb8;
	[tilespmem:$0x1E500] =	vst v63  }
0xa1: {  	s19 =	rddreg [dreg:$0xc]  }
0xa2: {  	[spmem:s3] =	stream.indirect.scatter.add.f32 [tilespmem:s12], [sflag:$0x3], $0x80, s22, s8, $0xb8;
	[tilespmem:$0x1E500] =	vst v63  }
0xa3: {  	s20 =	rddreg [dreg:$0xd]  }
0xa4: {  	[spmem:s3] =	stream.indirect.scatter.add.f32 [tilespmem:s12], [sflag:$0x3], $0x80, s19, s8, $0xb8;
	[tilespmem:$0x1E500] =	vst v63  }
0xa5: {  	s21 =	rddreg [dreg:$0xe]  }
0xa6: {  	[spmem:s3] =	stream.indirect.scatter.add.f32 [tilespmem:s12], [sflag:$0x3], $0x80, s20, s8, $0xb8;
	[tilespmem:$0x1E500] =	vst v63  }
0xa7: {  	s22 =	rddreg [dreg:$0xf]  }
0xa8: {  	[spmem:s3] =	stream.indirect.scatter.add.f32 [tilespmem:s12], [sflag:$0x3], $0x80, s21, s8, $0xb8;
	[tilespmem:$0x1E500] =	vst v63  }
0xa9: {  	s19 =	rddreg [dreg:$0x10]  }
0xaa: {  	[spmem:s3] =	stream.indirect.scatter.add.f32 [tilespmem:s12], [sflag:$0x3], $0x80, s22, s8, $0xb8;
	[tilespmem:$0x1E500] =	vst v63  }
0xab: {  	s20 =	rddreg [dreg:$0x11]  }
0xac: {  	[spmem:s3] =	stream.indirect.scatter.add.f32 [tilespmem:s12], [sflag:$0x3], $0x80, s19, s8, $0xb8;
	[tilespmem:$0x1E500] =	vst v63  }
0xad: {  	s21 =	rddreg [dreg:$0x12]  }
0xae: {  	[spmem:s3] =	stream.indirect.scatter.add.f32 [tilespmem:s12], [sflag:$0x3], $0x80, s20, s8, $0xb8;
	[tilespmem:$0x1E500] =	vst v63  }
0xaf: {  	s22 =	rddreg [dreg:$0x13]  }
0xb0: {  	[spmem:s3] =	stream.indirect.scatter.add.f32 [tilespmem:s12], [sflag:$0x3], $0x80, s21, s8, $0xb8;
	[tilespmem:$0x1E500] =	vst v63  }
0xb1: {  	s19 =	rddreg [dreg:$0x14]  }
0xb2: {  	[spmem:s3] =	stream.indirect.scatter.add.f32 [tilespmem:s12], [sflag:$0x3], $0x80, s22, s8, $0xb8;
	[tilespmem:$0x1E500] =	vst v63  }
0xb3: {  	s20 =	rddreg [dreg:$0x15]  }
0xb4: {  	[spmem:s3] =	stream.indirect.scatter.add.f32 [tilespmem:s12], [sflag:$0x3], $0x80, s19, s8, $0xb8;
	[tilespmem:$0x1E500] =	vst v63  }
0xb5: {  	s21 =	rddreg [dreg:$0x16]  }
0xb6: {  	[spmem:s3] =	stream.indirect.scatter.add.f32 [tilespmem:s12], [sflag:$0x3], $0x80, s20, s8, $0xb8;
	[tilespmem:$0x1E500] =	vst v63  }
0xb7: {  	s22 =	rddreg [dreg:$0x17]  }
0xb8: {  	[spmem:s3] =	stream.indirect.scatter.add.f32 [tilespmem:s12], [sflag:$0x3], $0x80, s21, s8, $0xb8;
	[tilespmem:$0x1E500] =	vst v63  }
0xb9: {  	s19 =	rddreg [dreg:$0x18]  }
0xba: {  	[spmem:s3] =	stream.indirect.scatter.add.f32 [tilespmem:s12], [sflag:$0x3], $0x80, s22, s8, $0xb8;
	[tilespmem:$0x1E500] =	vst v63  }
0xbb: {  	s20 =	rddreg [dreg:$0x19]  }
0xbc: {  	[spmem:s3] =	stream.indirect.scatter.add.f32 [tilespmem:s12], [sflag:$0x3], $0x80, s19, s8, $0xb8;
	[tilespmem:$0x1E500] =	vst v63  }
0xbd: {  	s21 =	rddreg [dreg:$0x1a]  }
0xbe: {  	[spmem:s3] =	stream.indirect.scatter.add.f32 [tilespmem:s12], [sflag:$0x3], $0x80, s20, s8, $0xb8;
	[tilespmem:$0x1E500] =	vst v63  }
0xbf: {  	s22 =	rddreg [dreg:$0x1b]  }
0xc0: {  	[spmem:s3] =	stream.indirect.scatter.add.f32 [tilespmem:s12], [sflag:$0x3], $0x80, s21, s8, $0xb8;
	[tilespmem:$0x1E500] =	vst v63  }
0xc1: {  	s19 =	rddreg [dreg:$0x1c]  }
0xc2: {  	[spmem:s3] =	stream.indirect.scatter.add.f32 [tilespmem:s12], [sflag:$0x3], $0x80, s22, s8, $0xb8;
	[tilespmem:$0x1E500] =	vst v63  }
0xc3: {  	s20 =	rddreg [dreg:$0x1d]  }
0xc4: {  	[spmem:s3] =	stream.indirect.scatter.add.f32 [tilespmem:s12], [sflag:$0x3], $0x80, s19, s8, $0xb8;
	[tilespmem:$0x1E500] =	vst v63  }
0xc5: {  	s21 =	rddreg [dreg:$0x1e]  }
0xc6: {  	[spmem:s3] =	stream.indirect.scatter.add.f32 [tilespmem:s12], [sflag:$0x3], $0x80, s20, s8, $0xb8;
	[tilespmem:$0x1E500] =	vst v63  }
0xc7: {  	s22 =	rddreg [dreg:$0x1f]  }
0xc8: {  	[spmem:s3] =	stream.indirect.scatter.add.f32 [tilespmem:s12], [sflag:$0x3], $0x80, s21, s8, $0xb8;
	[tilespmem:$0x1E500] =	vst v63  }
0xc9: {  	s19 =	sld [smem:$0x7F2]  }
0xca: {  	[spmem:s3] =	stream.indirect.scatter.add.f32 [tilespmem:s12], [sflag:$0x3], $0x80, s22, s8, $0xb8;
	[tilespmem:$0x1E500] =	vst v63  }
0xcb: {  	s20 =	sld [smem:$0x7F3]  }
0xcc: {  	[spmem:s3] =	stream.indirect.scatter.add.f32 [tilespmem:s12], [sflag:$0x3], $0x80, s19, s8, $0xb8;
	[tilespmem:$0x1E500] =	vst v63  }
0xcd: {  	s21 =	sld [smem:$0x7F4]  }
0xce: {  	[spmem:s3] =	stream.indirect.scatter.add.f32 [tilespmem:s12], [sflag:$0x3], $0x80, s20, s8, $0xb8;
	[tilespmem:$0x1E500] =	vst v63  }
0xcf: {  	s22 =	sld [smem:$0x7F5]  }
0xd0: {  	[spmem:s3] =	stream.indirect.scatter.add.f32 [tilespmem:s12], [sflag:$0x3], $0x80, s21, s8, $0xb8;
	[tilespmem:$0x1E500] =	vst v63  }
0xd1: {  	s19 =	sld [smem:$0x7F6]  }
0xd2: {  	[spmem:s3] =	stream.indirect.scatter.add.f32 [tilespmem:s12], [sflag:$0x3], $0x80, s22, s8, $0xb8;
	[tilespmem:$0x1E500] =	vst v63  }
0xd3: {  	s20 =	sld [smem:$0x7F7]  }
0xd4: {  	[spmem:s3] =	stream.indirect.scatter.add.f32 [tilespmem:s12], [sflag:$0x3], $0x80, s19, s8, $0xb8;
	[tilespmem:$0x1E500] =	vst v63  }
0xd5: {  	s21 =	sld [smem:$0x7F8]  }
0xd6: {  	[spmem:s3] =	stream.indirect.scatter.add.f32 [tilespmem:s12], [sflag:$0x3], $0x80, s20, s8, $0xb8;
	[tilespmem:$0x1E500] =	vst v63  }
0xd7: {  	s22 =	sld [smem:$0x7F9]  }
0xd8: {  	[spmem:s3] =	stream.indirect.scatter.add.f32 [tilespmem:s12], [sflag:$0x3], $0x80, s21, s8, $0xb8;
	[tilespmem:$0x1E500] =	vst v63  }
0xd9: {  	s19 =	sld [smem:$0x7FA]  }
0xda: {  	[spmem:s3] =	stream.indirect.scatter.add.f32 [tilespmem:s12], [sflag:$0x3], $0x80, s22, s8, $0xb8;
	[tilespmem:$0x1E500] =	vst v63  }
0xdb: {  	s20 =	sld [smem:$0x7FB]  }
0xdc: {  	[spmem:s3] =	stream.indirect.scatter.add.f32 [tilespmem:s12], [sflag:$0x3], $0x80, s19, s8, $0xb8;
	[tilespmem:$0x1E500] =	vst v63  }
0xdd: {  	s21 =	sld [smem:$0x7FC]  }
0xde: {  	[spmem:s3] =	stream.indirect.scatter.add.f32 [tilespmem:s12], [sflag:$0x3], $0x80, s20, s8, $0xb8;
	[tilespmem:$0x1E500] =	vst v63  }
0xdf: {  	s22 =	sld [smem:$0x7FD]  }
0xe0: {  	[spmem:s3] =	stream.indirect.scatter.add.f32 [tilespmem:s12], [sflag:$0x3], $0x80, s21, s8, $0xb8;
	[tilespmem:$0x1E500] =	vst v63  }
0xe1: {  	_ = 	snop  }
0xe2: {  	[spmem:s3] =	stream.indirect.scatter.add.f32 [tilespmem:s12], [sflag:$0x3], $0x80, s22, s8, $0xb8;
	[tilespmem:$0x1E500] =	vst v63  }
0xe3: {  	_ = 	snop  }
0xe4: {  	[spmem:s3] =	stream.indirect.scatter.add.f32 [tilespmem:s12], [sflag:$0x3], $0x80, s24, s8, $0xb8;
	[tilespmem:$0x1E500] =	vst v63  }
0xe5: {  	_ = 	snop  }
0xe6: {  	[spmem:s3] =	stream.indirect.scatter.add.f32 [tilespmem:s12], [sflag:$0x3], $0x80, s25, s8, $0xb8;
	[tilespmem:$0x1E500] =	vst v63  }
0xe7: {  	_ = 	snop  }
0xe8: {  	[spmem:s3] =	stream.indirect.scatter.add.f32 [tilespmem:s12], [sflag:$0x3], $0x80, s26, s8, $0xb8;
	[tilespmem:$0x1E500] =	vst v63  }
0xe9: {  	_ = 	snop  }
0xea: {  	[spmem:s3] =	stream.indirect.scatter.add.f32 [tilespmem:s12], [sflag:$0x3], $0x80, s28, s8, $0xb8;
	[tilespmem:$0x1E500] =	vst v63  }
0xeb: {  	_ = 	snop  }
0xec: {  	[spmem:s3] =	stream.indirect.scatter.add.f32 [tilespmem:s12], [sflag:$0x3], $0x80, s29, s8, $0xb8;
	[tilespmem:$0x1E500] =	vst v63  }
0xed: {  	_ = 	snop  }
0xee: {  	[spmem:s3] =	stream.indirect.scatter.add.f32 [tilespmem:s12], [sflag:$0x3], $0x80, s30, s8, $0xb8;
	[tilespmem:$0x1E500] =	vst v63  }
0xef: {  	_ =	swait.ge [sflag:s15], $0x4000  }
0xf0: {  	s18 =	simm.s32 $0x27;
	[sflag:s15] =	ssyncset.done $0x0  }
.LBB2_4:
0xf1: {  	p0 =	sne.s32 s18, $0x1;
	s18 =	sadd.s32 $0xFFFFFFFF, s18;
	[sflag:s15] =	ssyncadd.s32 $0xFFFFC000  }
.Ltmp1:
0xf2: {  	(pc) =	sbr.rel @p0 .LBB2_4-.Ltmp1, $3  }
0xf3: {  	_ =	sdelay $0x1  }
0xf4: {  	_ =	swait.ge [sflag:s15], $0x4000  }
0xf5: {  	[sflag:s15] =	ssyncset.done $0x0  }
0xf6: {  	[sflag:s15] =	ssyncadd.s32 $0xFFFFC000  }
0xf7: {  	[bflag:$0x0] =	sbarrier.arrive $0xFFFF  }
0xf8: {  	s18 =	rddreg [dreg:$0x8]  }
0xf9: {  	[hbm:s18], [sflag:s9] =	dma.local [spmem:s11], $0x2780  }
0xfa: {  	_ =	swait.ge [sflag:s7], $0x2780  }
0xfb: {  	s17 =	sadd.s32 $0x1, s17;
	s22 =	rddreg [dreg:$0x9]  }
0xfc: {  	p0 =	sne.s32 s17, s22  }
.Ltmp2:
0xfd: {  	_ = 	snop;
	(pc) =	sbr.rel @p0 .LBB2_1-.Ltmp2, $3  }
0xfe: {  	_ =	sdelay $0x1  }
0xff: {  	[sflag:s7] =	ssyncset.done $0x0  }
0x100: {  	[sflag:s7] =	ssyncadd.s32 $0xFFFFD880  }
0x101: {  	_ =	sfence.sel $0x180000  }
0x102: {  	[bflag:$0x0] =	sbarrier.arrive $0xFFFF  }
0x103: {  	_ =	strace $0x90000047  }
0x104: {  	s0 =	stileid.u32;
	[bflag:$0x2] =	sbarrier.arrive $0xFFFF  }
0x105: {  	p0 =	sne.s32 s0, $0x0;
	s0 =	rddreg [dreg:$0x3]  }
0x106: {  	s0 =	sadd.s32 @!p0 $0x100000, s0  }
0x107: {  	[sflag:s0] =	ssyncadd.tile.s32 @!p0 $0x1;
	_ =	shalt  }
.Lfunc_end2:
_tile_overlayer_lowered:
.L_overlay_start_2:
0x108: {  	(tag) =	ssettag $0x2  }
0x109: {  	s0 =	rddreg [dreg:$0x0];
	s2 =	stileid.u32  }
0x10a: {  	s1 =	rddreg [dreg:$0x1];
	p0 =	sne.s32 s2, $0x0  }
0x10b: {  	s3 =	rddreg [dreg:$0x2];
	[bflag:$0x3] =	sbarrier.arrive $0xFFFF;
	s2 =	simm.s32 @!p0 $0x1C05  }
0x10c: {  	[timem:s3], [sflag:s2] =	dma.local @!p0 [hbm:s0], s1  }
0x10d: {  	s0 =	simm.s32 @!p0 $0x5  }
0x10e: {  	_ =	swait.ge @!p0 [sflag:s0], s1  }
0x10f: {  	s1 =	ssub.s32 @!p0 $0x0, s1;
	[sflag:s0] =	ssyncset.done @!p0 $0x0  }
0x110: {  	[sflag:s0] =	ssyncadd.s32 @!p0 s1  }
0x111: {  	[bflag:$0x3] =	sbarrier.arrive $0xFFFF  }
0x112: {  	_ =	shalt  }

</sc_bundles>
